<compile_context>
chip_gen: v7x
topology: tpu7x:2x2x1
jax: 0.10.2.dev20260603
libtpu: 0.0.44.dev20260713+nightly
codegen_flags: <defaults>
</compile_context>

<pallas_src>
import functools

import jax
import jax.numpy as jnp
from jax import lax
from jax.experimental import pallas as pl
from jax.experimental.pallas import tpu as pltpu
from jax.experimental.pallas import tpu_sc as plsc


def _tokenize(xcat_t, xnum_t, tab_t, num_weight, num_bias):
    N_CAT, B = xcat_t.shape
    N_NUM = xnum_t.shape[0]
    _, D, VOCAB = tab_t.shape
    N_TOK = N_CAT + N_NUM

    info = plsc.get_sparse_core_info()
    NC, NS = info.num_cores, info.num_subcores
    NW = NC * NS
    cat_per_w = (N_CAT * D) // NW
    num_per_w = (N_NUM * D) // NW
    n_grp = B // 16
    VH0 = ((VOCAB // 2 + 127) // 128) * 128
    VH1 = VOCAB - VH0

    mesh = plsc.VectorSubcoreMesh(core_axis_name="c", subcore_axis_name="s")

    @functools.partial(
        pl.kernel,
        mesh=mesh,
        compiler_params=pltpu.CompilerParams(needs_layout_passes=False),
        out_type=jax.ShapeDtypeStruct((N_TOK, D, B), jnp.float32),
        scratch_types=[
            pltpu.VMEM((VH0,), jnp.float32),
            pltpu.VMEM((VH1,), jnp.float32),
            pltpu.VMEM((B,), jnp.int32),
            pltpu.VMEM((B,), jnp.float32),
            pltpu.VMEM((B,), jnp.float32),
            pltpu.VMEM((B,), jnp.float32),
            pltpu.VMEM((B,), jnp.float32),
            pltpu.VMEM((N_NUM, D), jnp.float32),
            pltpu.VMEM((N_NUM, D), jnp.float32),
            pltpu.SemaphoreType.DMA,
            pltpu.SemaphoreType.DMA,
            pltpu.SemaphoreType.DMA,
            pltpu.SemaphoreType.DMA,
            pltpu.SemaphoreType.DMA,
        ],
    )
    def body(xcat_hbm, xnum_hbm, tab_hbm, w_hbm, bias_hbm, out_hbm,
             h0, h1, idx_v, o0, o1, o2, xr_v, w_v, b_v,
             semA, semB, semO0, semO1, semO2):
        wid = lax.axis_index("s") * NC + lax.axis_index("c")
        p0 = wid * cat_per_w
        ovs = (o0, o1)
        sems = (semO0, semO1)

        def cpA(p):
            f = p // D
            d = p - f * D
            return pltpu.make_async_copy(
                tab_hbm.at[f, d, pl.ds(0, VH0)], h0, semA)

        def cpB(p):
            f = p // D
            d = p - f * D
            return pltpu.make_async_copy(
                tab_hbm.at[f, d, pl.ds(VH0, VH1)], h1, semB)

        def cpO(slot, t, d):
            return pltpu.make_async_copy(ovs[slot], out_hbm.at[t, d], sems[slot])

        cpA(p0).start()
        cpB(p0).start()
        pltpu.sync_copy(w_hbm, w_v)
        pltpu.sync_copy(bias_hbm, b_v)

        pltpu.sync_copy(xnum_hbm.at[(wid * num_per_w) // D], xr_v)

        def cpO2(q):
            j = q // D
            d = q - j * D
            return pltpu.make_async_copy(
                o2, out_hbm.at[N_CAT + j, d], semO2)

        def num_step(k):
            q = wid * num_per_w + k

            @pl.when(k > 0)
            def _():
                cpO2(q - 1).wait()

            j = q // D
            d = q - j * D
            jv = jnp.full((16,), j, jnp.int32)
            dv = jnp.full((16,), d, jnp.int32)
            wv = plsc.load_gather(w_v, [jv, dv])
            bv = plsc.load_gather(b_v, [jv, dv])

            def g(i, c):
                sl = pl.ds(i * 16, 16)
                o2[sl] = xr_v[sl] * wv + bv
                return c

            lax.fori_loop(0, n_grp, g, 0)
            cpO2(q).start()

        def cat_pair(kk, prev_f):
            for slot in range(2):
                k = kk * 2 + slot
                p = p0 + k
                f = p // D
                d = p - f * D

                @pl.when(f != prev_f)
                def _():
                    pltpu.sync_copy(xcat_hbm.at[f], idx_v)

                prev_f = f
                ov = ovs[slot]

                @pl.when(kk > 0)
                def _():
                    pp = p - 2
                    fp = pp // D
                    dp = pp - fp * D
                    cpO(slot, fp, dp).wait()

                cpA(p).wait()
                c_vh0 = jnp.full((16,), VH0, jnp.int32)
                c_and = jnp.full((16,), (1 << 17) - 1, jnp.int32)

                def gA(i, c):
                    sl = pl.ds(i * 16, 16)
                    iv = idx_v[sl]
                    ov[sl] = plsc.load_gather(h0, [iv], mask=iv < c_vh0)
                    return c

                lax.fori_loop(0, n_grp, gA, 0)

                @pl.when(k < cat_per_w - 1)
                def _():
                    cpA(p + 1).start()

                @pl.when(k < num_per_w)
                def _():
                    num_step(k)

                cpB(p).wait()

                def gB(i, c):
                    sl = pl.ds(i * 16, 16)
                    iv = idx_v[sl]
                    m = iv >= c_vh0
                    gb = plsc.load_gather(h1, [(iv - c_vh0) & c_and], mask=m)
                    ov[sl] = jnp.where(m, gb, ov[sl])
                    return c

                lax.fori_loop(0, n_grp, gB, 0)

                @pl.when(k < cat_per_w - 1)
                def _():
                    cpB(p + 1).start()

                cpO(slot, f, d).start()
            return prev_f

        lax.fori_loop(0, cat_per_w // 2, cat_pair, jnp.int32(-1))
        for slot in range(2):
            p = p0 + cat_per_w - 2 + slot
            f = p // D
            d = p - f * D
            cpO(slot, f, d).wait()
        cpO2(wid * num_per_w + num_per_w - 1).wait()

    return body(xcat_t, xnum_t, tab_t, num_weight, num_bias)


def kernel(x_cat, x_num, cat_tables, num_weight, num_bias):
    xcat_t = x_cat.T
    xnum_t = x_num.T
    tab_t = jnp.transpose(cat_tables, (0, 2, 1))
    out_t = _tokenize(xcat_t, xnum_t, tab_t, num_weight, num_bias)
    return jnp.transpose(out_t, (2, 0, 1))

# --- scband reference (transcript-rebuilt; emitter-appended) ---
"""Pipeline reference for scband-feature-tokenizer-15796889715543 (READ-ONLY COPY).

The authoritative reference and input builder live on the scoring server;
editing this copy changes nothing except your own understanding.
"""

import jax, jax.numpy as jnp
import numpy as np

B = 4096
N_CAT = 26
N_NUM = 16
D = 32
VOCAB = 100000

def setup_inputs(seed: int = 0) -> dict:
    key = jax.random.key(seed)
    k1, k2, k3, k4 = jax.random.split(key, 4)
    x_cat = jax.random.randint(k1, (B, N_CAT), 0, VOCAB, dtype=jnp.int32)
    x_num = jax.random.normal(k2, (B, N_NUM), dtype=jnp.float32)
    # learned params: one embedding table per categorical feature (all same cardinality,
    # stacked into a single [N_CAT, VOCAB, D] tensor), plus per-numeric-feature linear.
    cat_tables = jax.random.normal(k3, (N_CAT, VOCAB, D), dtype=jnp.float32) * 0.02
    num_weight = jax.random.normal(k4, (N_NUM, D), dtype=jnp.float32) * 0.01
    num_bias = jnp.zeros((N_NUM, D), dtype=jnp.float32)
    return {"x_cat": x_cat, "x_num": x_num, "cat_tables": cat_tables,
            "num_weight": num_weight, "num_bias": num_bias}

def reference(x_cat, x_num, cat_tables, num_weight, num_bias):
    # Categorical: per-feature embedding lookup -> [B, N_CAT, D]
    cat_toks = jax.vmap(lambda table, idx: jnp.take(table, idx, axis=0),
                        in_axes=(0, 1), out_axes=1)(cat_tables, x_cat)
    # Numerical: per-feature linear x * w + b -> [B, N_NUM, D]
    num_toks = x_num[:, :, None] * num_weight[None, :, :] + num_bias[None, :, :]
    # torch.stack(toks, dim=1) with cat tokens first, then numeric tokens
    return jnp.concatenate([cat_toks, num_toks], axis=1)

if __name__ == "__main__":
    import jax
    _d = setup_inputs()
    print(jax.jit(kernel)(*tuple(_d.values())))

</pallas_src>

<mosaic_0001>
#map = affine_map<(d0, d1) -> (0, 0)>
#map1 = affine_map<(d0, d1) -> (0, 0, 0)>
module attributes {stable_mosaic.version = 14 : i64} {
  func.func @body(%arg0: i32, %arg1: i32, %arg2: memref<26x4096xi32, #tpu.memory_space<hbm>>, %arg3: memref<16x4096xf32, #tpu.memory_space<hbm>>, %arg4: memref<26x32x100000xf32, #tpu.memory_space<hbm>>, %arg5: memref<16x32xf32, #tpu.memory_space<hbm>>, %arg6: memref<16x32xf32, #tpu.memory_space<hbm>>, %arg7: memref<42x32x4096xf32, #tpu.memory_space<hbm>>, %arg8: memref<50048xf32, #tpu.memory_space<vmem>>, %arg9: memref<49952xf32, #tpu.memory_space<vmem>>, %arg10: memref<4096xi32, #tpu.memory_space<vmem>>, %arg11: memref<4096xf32, #tpu.memory_space<vmem>>, %arg12: memref<4096xf32, #tpu.memory_space<vmem>>, %arg13: memref<4096xf32, #tpu.memory_space<vmem>>, %arg14: memref<4096xf32, #tpu.memory_space<vmem>>, %arg15: memref<16x32xf32, #tpu.memory_space<vmem>>, %arg16: memref<16x32xf32, #tpu.memory_space<vmem>>, %arg17: memref<!tpu.dma_semaphore, #tpu.memory_space<semaphore_mem>>, %arg18: memref<!tpu.dma_semaphore, #tpu.memory_space<semaphore_mem>>, %arg19: memref<!tpu.dma_semaphore, #tpu.memory_space<semaphore_mem>>, %arg20: memref<!tpu.dma_semaphore, #tpu.memory_space<semaphore_mem>>, %arg21: memref<!tpu.dma_semaphore, #tpu.memory_space<semaphore_mem>>) attributes {dimension_semantics = [#tpu.dimension_semantics<core_parallel>, #tpu.dimension_semantics<subcore_parallel>], iteration_bounds = array<i64: 2, 16>, scalar_prefetch = 0 : i64, scratch_operands = 14 : i64, tpu.core_type = #tpu.core_type<sc_vector_subcore>, window_params = [{transform_indices = #map}, {transform_indices = #map}, {transform_indices = #map1}, {transform_indices = #map}, {transform_indices = #map}, {transform_indices = #map1}]} {
    %mul3A = arith.constant 2 : i32
    %mul3A_0 = arith.muli %arg1, %mul3A : i32
    %add3A = arith.addi %mul3A_0, %arg0 : i32
    %mul3A_1 = arith.constant 26 : i32
    %mul3A_2 = arith.muli %add3A, %mul3A_1 : i32
    %jit3A = arith.constant 32 : i32
    %div3A = arith.divsi %mul3A_2, %jit3A : i32
    %sign3A = arith.constant 0 : i32
    %sign3A_3 = arith.cmpi sgt, %mul3A_2, %sign3A : i32
    %sign3A_4 = arith.extui %sign3A_3 : i1 to i32
    %sign3A_5 = arith.constant 0 : i32
    %sign3A_6 = arith.cmpi slt, %mul3A_2, %sign3A_5 : i32
    %sign3A_7 = arith.extui %sign3A_6 : i1 to i32
    %sign3A_8 = arith.subi %sign3A_4, %sign3A_7 : i32
    %sign3A_9 = arith.constant 0 : i32
    %sign3A_10 = arith.cmpi sgt, %jit3A, %sign3A_9 : i32
    %sign3A_11 = arith.extui %sign3A_10 : i1 to i32
    %sign3A_12 = arith.constant 0 : i32
    %sign3A_13 = arith.cmpi slt, %jit3A, %sign3A_12 : i32
    %sign3A_14 = arith.extui %sign3A_13 : i1 to i32
    %sign3A_15 = arith.subi %sign3A_11, %sign3A_14 : i32
    %ne3A = arith.cmpi ne, %sign3A_8, %sign3A_15 : i32
    %rem3A = arith.remsi %mul3A_2, %jit3A : i32
    %ne3A_16 = arith.constant 0 : i32
    %ne3A_17 = arith.cmpi ne, %rem3A, %ne3A_16 : i32
    %and3A = arith.andi %ne3A, %ne3A_17 : i1
    %sub3A = arith.constant 1 : i32
    %sub3A_18 = arith.subi %div3A, %sub3A : i32
    %select_n3A = arith.select %and3A, %sub3A_18, %div3A : i32
    %mul3A_19 = arith.constant 32 : i32
    %mul3A_20 = arith.muli %select_n3A, %mul3A_19 : i32
    %sub3A_21 = arith.subi %mul3A_2, %mul3A_20 : i32
    %dma_start3A = arith.constant 0 : i32
    %dma_start3A_22 = tpu.memref_slice %arg4[%select_n3A, %sub3A_21, %dma_start3A] : memref<26x32x100000xf32, #tpu.memory_space<hbm>> -> memref<1x1x50048xf32, #tpu.memory_space<hbm>>
    %dma_start3A_23 = tpu.memref_squeeze %dma_start3A_22 : memref<1x1x50048xf32, #tpu.memory_space<hbm>> -> memref<50048xf32, #tpu.memory_space<hbm>>
    %dma_start3A_24 = arith.constant 0 : i32
    %dma_start3A_25 = tpu.memref_slice %arg4[%select_n3A, %sub3A_21, %dma_start3A_24] : memref<26x32x100000xf32, #tpu.memory_space<hbm>> -> memref<1x1x50048xf32, #tpu.memory_space<hbm>>
    %dma_start3A_26 = tpu.memref_squeeze %dma_start3A_25 : memref<1x1x50048xf32, #tpu.memory_space<hbm>> -> memref<50048xf32, #tpu.memory_space<hbm>>
    tpu.enqueue_dma source(%dma_start3A_26 : memref<50048xf32, #tpu.memory_space<hbm>>) target(%arg8 : memref<50048xf32, #tpu.memory_space<vmem>>) target_semaphore(%arg17 : memref<!tpu.dma_semaphore, #tpu.memory_space<semaphore_mem>>)
    %jit3A_27 = arith.constant 32 : i32
    %div3A_28 = arith.divsi %mul3A_2, %jit3A_27 : i32
    %sign3A_29 = arith.constant 0 : i32
    %sign3A_30 = arith.cmpi sgt, %mul3A_2, %sign3A_29 : i32
    %sign3A_31 = arith.extui %sign3A_30 : i1 to i32
    %sign3A_32 = arith.constant 0 : i32
    %sign3A_33 = arith.cmpi slt, %mul3A_2, %sign3A_32 : i32
    %sign3A_34 = arith.extui %sign3A_33 : i1 to i32
    %sign3A_35 = arith.subi %sign3A_31, %sign3A_34 : i32
    %sign3A_36 = arith.constant 0 : i32
    %sign3A_37 = arith.cmpi sgt, %jit3A_27, %sign3A_36 : i32
    %sign3A_38 = arith.extui %sign3A_37 : i1 to i32
    %sign3A_39 = arith.constant 0 : i32
    %sign3A_40 = arith.cmpi slt, %jit3A_27, %sign3A_39 : i32
    %sign3A_41 = arith.extui %sign3A_40 : i1 to i32
    %sign3A_42 = arith.subi %sign3A_38, %sign3A_41 : i32
    %ne3A_43 = arith.cmpi ne, %sign3A_35, %sign3A_42 : i32
    %rem3A_44 = arith.remsi %mul3A_2, %jit3A_27 : i32
    %ne3A_45 = arith.constant 0 : i32
    %ne3A_46 = arith.cmpi ne, %rem3A_44, %ne3A_45 : i32
    %and3A_47 = arith.andi %ne3A_43, %ne3A_46 : i1
    %sub3A_48 = arith.constant 1 : i32
    %sub3A_49 = arith.subi %div3A_28, %sub3A_48 : i32
    %select_n3A_50 = arith.select %and3A_47, %sub3A_49, %div3A_28 : i32
    %mul3A_51 = arith.constant 32 : i32
    %mul3A_52 = arith.muli %select_n3A_50, %mul3A_51 : i32
    %sub3A_53 = arith.subi %mul3A_2, %mul3A_52 : i32
    %dma_start3A_54 = arith.constant 50048 : i32
    %dma_start3A_55 = tpu.memref_slice %arg4[%select_n3A_50, %sub3A_53, %dma_start3A_54] : memref<26x32x100000xf32, #tpu.memory_space<hbm>> -> memref<1x1x49952xf32, #tpu.memory_space<hbm>>
    %dma_start3A_56 = tpu.memref_squeeze %dma_start3A_55 : memref<1x1x49952xf32, #tpu.memory_space<hbm>> -> memref<49952xf32, #tpu.memory_space<hbm>>
    %dma_start3A_57 = arith.constant 50048 : i32
    %dma_start3A_58 = tpu.memref_slice %arg4[%select_n3A_50, %sub3A_53, %dma_start3A_57] : memref<26x32x100000xf32, #tpu.memory_space<hbm>> -> memref<1x1x49952xf32, #tpu.memory_space<hbm>>
    %dma_start3A_59 = tpu.memref_squeeze %dma_start3A_58 : memref<1x1x49952xf32, #tpu.memory_space<hbm>> -> memref<49952xf32, #tpu.memory_space<hbm>>
    tpu.enqueue_dma source(%dma_start3A_59 : memref<49952xf32, #tpu.memory_space<hbm>>) target(%arg9 : memref<49952xf32, #tpu.memory_space<vmem>>) target_semaphore(%arg18 : memref<!tpu.dma_semaphore, #tpu.memory_space<semaphore_mem>>)
    "tpu.region"() ({
      %run_scoped3A = tpu.sem_alloc : memref<!tpu.dma_semaphore, #tpu.memory_space<semaphore_mem>>
      tpu.enqueue_dma source(%arg5 : memref<16x32xf32, #tpu.memory_space<hbm>>) target(%arg15 : memref<16x32xf32, #tpu.memory_space<vmem>>) target_semaphore(%run_scoped3A : memref<!tpu.dma_semaphore, #tpu.memory_space<semaphore_mem>>)
      tpu.wait_dma2 semaphore(%run_scoped3A : memref<!tpu.dma_semaphore, #tpu.memory_space<semaphore_mem>>) src(%arg5 : memref<16x32xf32, #tpu.memory_space<hbm>>) dst(%arg15 : memref<16x32xf32, #tpu.memory_space<vmem>>)
      tpu.yield
    }) : () -> ()
    "tpu.region"() ({
      %run_scoped3A = tpu.sem_alloc : memref<!tpu.dma_semaphore, #tpu.memory_space<semaphore_mem>>
      tpu.enqueue_dma source(%arg6 : memref<16x32xf32, #tpu.memory_space<hbm>>) target(%arg16 : memref<16x32xf32, #tpu.memory_space<vmem>>) target_semaphore(%run_scoped3A : memref<!tpu.dma_semaphore, #tpu.memory_space<semaphore_mem>>)
      tpu.wait_dma2 semaphore(%run_scoped3A : memref<!tpu.dma_semaphore, #tpu.memory_space<semaphore_mem>>) src(%arg6 : memref<16x32xf32, #tpu.memory_space<hbm>>) dst(%arg16 : memref<16x32xf32, #tpu.memory_space<vmem>>)
      tpu.yield
    }) : () -> ()
    %mul3A_60 = arith.constant 16 : i32
    %mul3A_61 = arith.muli %add3A, %mul3A_60 : i32
    %jit3A_62 = arith.constant 32 : i32
    %div3A_63 = arith.divsi %mul3A_61, %jit3A_62 : i32
    %sign3A_64 = arith.constant 0 : i32
    %sign3A_65 = arith.cmpi sgt, %mul3A_61, %sign3A_64 : i32
    %sign3A_66 = arith.extui %sign3A_65 : i1 to i32
    %sign3A_67 = arith.constant 0 : i32
    %sign3A_68 = arith.cmpi slt, %mul3A_61, %sign3A_67 : i32
    %sign3A_69 = arith.extui %sign3A_68 : i1 to i32
    %sign3A_70 = arith.subi %sign3A_66, %sign3A_69 : i32
    %sign3A_71 = arith.constant 0 : i32
    %sign3A_72 = arith.cmpi sgt, %jit3A_62, %sign3A_71 : i32
    %sign3A_73 = arith.extui %sign3A_72 : i1 to i32
    %sign3A_74 = arith.constant 0 : i32
    %sign3A_75 = arith.cmpi slt, %jit3A_62, %sign3A_74 : i32
    %sign3A_76 = arith.extui %sign3A_75 : i1 to i32
    %sign3A_77 = arith.subi %sign3A_73, %sign3A_76 : i32
    %ne3A_78 = arith.cmpi ne, %sign3A_70, %sign3A_77 : i32
    %rem3A_79 = arith.remsi %mul3A_61, %jit3A_62 : i32
    %ne3A_80 = arith.constant 0 : i32
    %ne3A_81 = arith.cmpi ne, %rem3A_79, %ne3A_80 : i32
    %and3A_82 = arith.andi %ne3A_78, %ne3A_81 : i1
    %sub3A_83 = arith.constant 1 : i32
    %sub3A_84 = arith.subi %div3A_63, %sub3A_83 : i32
    %select_n3A_85 = arith.select %and3A_82, %sub3A_84, %div3A_63 : i32
    "tpu.region"() ({
      %run_scoped3A = tpu.sem_alloc : memref<!tpu.dma_semaphore, #tpu.memory_space<semaphore_mem>>
      %dma_start3A_210 = arith.constant 0 : i32
      %dma_start3A_211 = tpu.memref_slice %arg3[%select_n3A_85, %dma_start3A_210] : memref<16x4096xf32, #tpu.memory_space<hbm>> -> memref<1x4096xf32, #tpu.memory_space<hbm>>
      %dma_start3A_212 = tpu.memref_squeeze %dma_start3A_211 : memref<1x4096xf32, #tpu.memory_space<hbm>> -> memref<4096xf32, #tpu.memory_space<hbm>>
      %dma_start3A_213 = arith.constant 0 : i32
      %dma_start3A_214 = tpu.memref_slice %arg3[%select_n3A_85, %dma_start3A_213] : memref<16x4096xf32, #tpu.memory_space<hbm>> -> memref<1x4096xf32, #tpu.memory_space<hbm>>
      %dma_start3A_215 = tpu.memref_squeeze %dma_start3A_214 : memref<1x4096xf32, #tpu.memory_space<hbm>> -> memref<4096xf32, #tpu.memory_space<hbm>>
      tpu.enqueue_dma source(%dma_start3A_215 : memref<4096xf32, #tpu.memory_space<hbm>>) target(%arg14 : memref<4096xf32, #tpu.memory_space<vmem>>) target_semaphore(%run_scoped3A : memref<!tpu.dma_semaphore, #tpu.memory_space<semaphore_mem>>)
      %dma_wait3A_216 = arith.constant 0 : i32
      %dma_wait3A_217 = tpu.memref_slice %arg3[%select_n3A_85, %dma_wait3A_216] : memref<16x4096xf32, #tpu.memory_space<hbm>> -> memref<1x4096xf32, #tpu.memory_space<hbm>>
      %dma_wait3A_218 = tpu.memref_squeeze %dma_wait3A_217 : memref<1x4096xf32, #tpu.memory_space<hbm>> -> memref<4096xf32, #tpu.memory_space<hbm>>
      %dma_wait3A_219 = arith.constant 0 : i32
      %dma_wait3A_220 = tpu.memref_slice %arg3[%select_n3A_85, %dma_wait3A_219] : memref<16x4096xf32, #tpu.memory_space<hbm>> -> memref<1x4096xf32, #tpu.memory_space<hbm>>
      %dma_wait3A_221 = tpu.memref_squeeze %dma_wait3A_220 : memref<1x4096xf32, #tpu.memory_space<hbm>> -> memref<4096xf32, #tpu.memory_space<hbm>>
      tpu.wait_dma2 semaphore(%run_scoped3A : memref<!tpu.dma_semaphore, #tpu.memory_space<semaphore_mem>>) src(%dma_wait3A_221 : memref<4096xf32, #tpu.memory_space<hbm>>) dst(%arg14 : memref<4096xf32, #tpu.memory_space<vmem>>)
      tpu.yield
    }) : () -> ()
    %scan3A = arith.constant -1 : i32
    %scan3A_86 = arith.constant 0 : i32
    %scan3A_87 = arith.constant 13 : i32
    %scan3A_88 = arith.addi %scan3A_86, %scan3A_87 : i32
    %scan3A_89 = arith.constant 1 : i32
    %scan3A_90 = scf.for %scan3A_210 = %scan3A_86 to %scan3A_88 step %scan3A_89 iter_args(%scan3A_211 = %scan3A) -> (i32)  : i32 {
      %mul3A_212 = arith.constant 2 : i32
      %mul3A_213 = arith.muli %scan3A_210, %mul3A_212 : i32
      %add3A_214 = arith.constant 0 : i32
      %add3A_215 = arith.addi %mul3A_213, %add3A_214 : i32
      %add3A_216 = arith.addi %mul3A_2, %add3A_215 : i32
      %jit3A_217 = arith.constant 32 : i32
      %div3A_218 = arith.divsi %add3A_216, %jit3A_217 : i32
      %sign3A_219 = arith.constant 0 : i32
      %sign3A_220 = arith.cmpi sgt, %add3A_216, %sign3A_219 : i32
      %sign3A_221 = arith.extui %sign3A_220 : i1 to i32
      %sign3A_222 = arith.constant 0 : i32
      %sign3A_223 = arith.cmpi slt, %add3A_216, %sign3A_222 : i32
      %sign3A_224 = arith.extui %sign3A_223 : i1 to i32
      %sign3A_225 = arith.subi %sign3A_221, %sign3A_224 : i32
      %sign3A_226 = arith.constant 0 : i32
      %sign3A_227 = arith.cmpi sgt, %jit3A_217, %sign3A_226 : i32
      %sign3A_228 = arith.extui %sign3A_227 : i1 to i32
      %sign3A_229 = arith.constant 0 : i32
      %sign3A_230 = arith.cmpi slt, %jit3A_217, %sign3A_229 : i32
      %sign3A_231 = arith.extui %sign3A_230 : i1 to i32
      %sign3A_232 = arith.subi %sign3A_228, %sign3A_231 : i32
      %ne3A_233 = arith.cmpi ne, %sign3A_225, %sign3A_232 : i32
      %rem3A_234 = arith.remsi %add3A_216, %jit3A_217 : i32
      %ne3A_235 = arith.constant 0 : i32
      %ne3A_236 = arith.cmpi ne, %rem3A_234, %ne3A_235 : i32
      %and3A_237 = arith.andi %ne3A_233, %ne3A_236 : i1
      %sub3A_238 = arith.constant 1 : i32
      %sub3A_239 = arith.subi %div3A_218, %sub3A_238 : i32
      %select_n3A_240 = arith.select %and3A_237, %sub3A_239, %div3A_218 : i32
      %mul3A_241 = arith.constant 32 : i32
      %mul3A_242 = arith.muli %select_n3A_240, %mul3A_241 : i32
      %sub3A_243 = arith.subi %add3A_216, %mul3A_242 : i32
      %ne3A_244 = arith.cmpi ne, %select_n3A_240, %scan3A_211 : i32
      %convert_element_type3A = arith.extui %ne3A_244 : i1 to i32
      %cond3A = arith.constant 0 : i32
      %cond3A_245 = arith.cmpi ne, %convert_element_type3A, %cond3A : i32
      scf.if %cond3A_245 {
        "tpu.region"() ({
          %run_scoped3A = tpu.sem_alloc : memref<!tpu.dma_semaphore, #tpu.memory_space<semaphore_mem>>
          %dma_start3A_495 = arith.constant 0 : i32
          %dma_start3A_496 = tpu.memref_slice %arg2[%select_n3A_240, %dma_start3A_495] : memref<26x4096xi32, #tpu.memory_space<hbm>> -> memref<1x4096xi32, #tpu.memory_space<hbm>>
          %dma_start3A_497 = tpu.memref_squeeze %dma_start3A_496 : memref<1x4096xi32, #tpu.memory_space<hbm>> -> memref<4096xi32, #tpu.memory_space<hbm>>
          %dma_start3A_498 = arith.constant 0 : i32
          %dma_start3A_499 = tpu.memref_slice %arg2[%select_n3A_240, %dma_start3A_498] : memref<26x4096xi32, #tpu.memory_space<hbm>> -> memref<1x4096xi32, #tpu.memory_space<hbm>>
          %dma_start3A_500 = tpu.memref_squeeze %dma_start3A_499 : memref<1x4096xi32, #tpu.memory_space<hbm>> -> memref<4096xi32, #tpu.memory_space<hbm>>
          tpu.enqueue_dma source(%dma_start3A_500 : memref<4096xi32, #tpu.memory_space<hbm>>) target(%arg10 : memref<4096xi32, #tpu.memory_space<vmem>>) target_semaphore(%run_scoped3A : memref<!tpu.dma_semaphore, #tpu.memory_space<semaphore_mem>>)
          %dma_wait3A_501 = arith.constant 0 : i32
          %dma_wait3A_502 = tpu.memref_slice %arg2[%select_n3A_240, %dma_wait3A_501] : memref<26x4096xi32, #tpu.memory_space<hbm>> -> memref<1x4096xi32, #tpu.memory_space<hbm>>
          %dma_wait3A_503 = tpu.memref_squeeze %dma_wait3A_502 : memref<1x4096xi32, #tpu.memory_space<hbm>> -> memref<4096xi32, #tpu.memory_space<hbm>>
          %dma_wait3A_504 = arith.constant 0 : i32
          %dma_wait3A_505 = tpu.memref_slice %arg2[%select_n3A_240, %dma_wait3A_504] : memref<26x4096xi32, #tpu.memory_space<hbm>> -> memref<1x4096xi32, #tpu.memory_space<hbm>>
          %dma_wait3A_506 = tpu.memref_squeeze %dma_wait3A_505 : memref<1x4096xi32, #tpu.memory_space<hbm>> -> memref<4096xi32, #tpu.memory_space<hbm>>
          tpu.wait_dma2 semaphore(%run_scoped3A : memref<!tpu.dma_semaphore, #tpu.memory_space<semaphore_mem>>) src(%dma_wait3A_506 : memref<4096xi32, #tpu.memory_space<hbm>>) dst(%arg10 : memref<4096xi32, #tpu.memory_space<vmem>>)
          tpu.yield
        }) : () -> ()
      } else {
      }
      %gt3A = arith.constant 0 : i32
      %gt3A_246 = arith.cmpi sgt, %scan3A_210, %gt3A : i32
      %convert_element_type3A_247 = arith.extui %gt3A_246 : i1 to i32
      %cond3A_248 = arith.constant 0 : i32
      %cond3A_249 = arith.cmpi ne, %convert_element_type3A_247, %cond3A_248 : i32
      scf.if %cond3A_249 {
        %sub3A_495 = arith.constant 2 : i32
        %sub3A_496 = arith.subi %add3A_216, %sub3A_495 : i32
        %jit3A_497 = arith.constant 32 : i32
        %div3A_498 = arith.divsi %sub3A_496, %jit3A_497 : i32
        %sign3A_499 = arith.constant 0 : i32
        %sign3A_500 = arith.cmpi sgt, %sub3A_496, %sign3A_499 : i32
        %sign3A_501 = arith.extui %sign3A_500 : i1 to i32
        %sign3A_502 = arith.constant 0 : i32
        %sign3A_503 = arith.cmpi slt, %sub3A_496, %sign3A_502 : i32
        %sign3A_504 = arith.extui %sign3A_503 : i1 to i32
        %sign3A_505 = arith.subi %sign3A_501, %sign3A_504 : i32
        %sign3A_506 = arith.constant 0 : i32
        %sign3A_507 = arith.cmpi sgt, %jit3A_497, %sign3A_506 : i32
        %sign3A_508 = arith.extui %sign3A_507 : i1 to i32
        %sign3A_509 = arith.constant 0 : i32
        %sign3A_510 = arith.cmpi slt, %jit3A_497, %sign3A_509 : i32
        %sign3A_511 = arith.extui %sign3A_510 : i1 to i32
        %sign3A_512 = arith.subi %sign3A_508, %sign3A_511 : i32
        %ne3A_513 = arith.cmpi ne, %sign3A_505, %sign3A_512 : i32
        %rem3A_514 = arith.remsi %sub3A_496, %jit3A_497 : i32
        %ne3A_515 = arith.constant 0 : i32
        %ne3A_516 = arith.cmpi ne, %rem3A_514, %ne3A_515 : i32
        %and3A_517 = arith.andi %ne3A_513, %ne3A_516 : i1
        %sub3A_518 = arith.constant 1 : i32
        %sub3A_519 = arith.subi %div3A_498, %sub3A_518 : i32
        %select_n3A_520 = arith.select %and3A_517, %sub3A_519, %div3A_498 : i32
        %mul3A_521 = arith.constant 32 : i32
        %mul3A_522 = arith.muli %select_n3A_520, %mul3A_521 : i32
        %sub3A_523 = arith.subi %sub3A_496, %mul3A_522 : i32
        %dma_wait3A_524 = arith.constant 0 : i32
        %dma_wait3A_525 = tpu.memref_slice %arg7[%select_n3A_520, %sub3A_523, %dma_wait3A_524] : memref<42x32x4096xf32, #tpu.memory_space<hbm>> -> memref<1x1x4096xf32, #tpu.memory_space<hbm>>
        %dma_wait3A_526 = tpu.memref_squeeze %dma_wait3A_525 : memref<1x1x4096xf32, #tpu.memory_space<hbm>> -> memref<4096xf32, #tpu.memory_space<hbm>>
        %dma_wait3A_527 = arith.constant 0 : i32
        %dma_wait3A_528 = tpu.memref_slice %arg7[%select_n3A_520, %sub3A_523, %dma_wait3A_527] : memref<42x32x4096xf32, #tpu.memory_space<hbm>> -> memref<1x1x4096xf32, #tpu.memory_space<hbm>>
        %dma_wait3A_529 = tpu.memref_squeeze %dma_wait3A_528 : memref<1x1x4096xf32, #tpu.memory_space<hbm>> -> memref<4096xf32, #tpu.memory_space<hbm>>
        tpu.wait_dma2 semaphore(%arg19 : memref<!tpu.dma_semaphore, #tpu.memory_space<semaphore_mem>>) src(%arg11 : memref<4096xf32, #tpu.memory_space<vmem>>) dst(%dma_wait3A_529 : memref<4096xf32, #tpu.memory_space<hbm>>)
      } else {
      }
      %jit3A_250 = arith.constant 32 : i32
      %div3A_251 = arith.divsi %add3A_216, %jit3A_250 : i32
      %sign3A_252 = arith.constant 0 : i32
      %sign3A_253 = arith.cmpi sgt, %add3A_216, %sign3A_252 : i32
      %sign3A_254 = arith.extui %sign3A_253 : i1 to i32
      %sign3A_255 = arith.constant 0 : i32
      %sign3A_256 = arith.cmpi slt, %add3A_216, %sign3A_255 : i32
      %sign3A_257 = arith.extui %sign3A_256 : i1 to i32
      %sign3A_258 = arith.subi %sign3A_254, %sign3A_257 : i32
      %sign3A_259 = arith.constant 0 : i32
      %sign3A_260 = arith.cmpi sgt, %jit3A_250, %sign3A_259 : i32
      %sign3A_261 = arith.extui %sign3A_260 : i1 to i32
      %sign3A_262 = arith.constant 0 : i32
      %sign3A_263 = arith.cmpi slt, %jit3A_250, %sign3A_262 : i32
      %sign3A_264 = arith.extui %sign3A_263 : i1 to i32
      %sign3A_265 = arith.subi %sign3A_261, %sign3A_264 : i32
      %ne3A_266 = arith.cmpi ne, %sign3A_258, %sign3A_265 : i32
      %rem3A_267 = arith.remsi %add3A_216, %jit3A_250 : i32
      %ne3A_268 = arith.constant 0 : i32
      %ne3A_269 = arith.cmpi ne, %rem3A_267, %ne3A_268 : i32
      %and3A_270 = arith.andi %ne3A_266, %ne3A_269 : i1
      %sub3A_271 = arith.constant 1 : i32
      %sub3A_272 = arith.subi %div3A_251, %sub3A_271 : i32
      %select_n3A_273 = arith.select %and3A_270, %sub3A_272, %div3A_251 : i32
      %mul3A_274 = arith.constant 32 : i32
      %mul3A_275 = arith.muli %select_n3A_273, %mul3A_274 : i32
      %sub3A_276 = arith.subi %add3A_216, %mul3A_275 : i32
      %dma_wait3A_277 = arith.constant 0 : i32
      %dma_wait3A_278 = tpu.memref_slice %arg4[%select_n3A_273, %sub3A_276, %dma_wait3A_277] : memref<26x32x100000xf32, #tpu.memory_space<hbm>> -> memref<1x1x50048xf32, #tpu.memory_space<hbm>>
      %dma_wait3A_279 = tpu.memref_squeeze %dma_wait3A_278 : memref<1x1x50048xf32, #tpu.memory_space<hbm>> -> memref<50048xf32, #tpu.memory_space<hbm>>
      %dma_wait3A_280 = arith.constant 0 : i32
      %dma_wait3A_281 = tpu.memref_slice %arg4[%select_n3A_273, %sub3A_276, %dma_wait3A_280] : memref<26x32x100000xf32, #tpu.memory_space<hbm>> -> memref<1x1x50048xf32, #tpu.memory_space<hbm>>
      %dma_wait3A_282 = tpu.memref_squeeze %dma_wait3A_281 : memref<1x1x50048xf32, #tpu.memory_space<hbm>> -> memref<50048xf32, #tpu.memory_space<hbm>>
      tpu.wait_dma2 semaphore(%arg17 : memref<!tpu.dma_semaphore, #tpu.memory_space<semaphore_mem>>) src(%dma_wait3A_282 : memref<50048xf32, #tpu.memory_space<hbm>>) dst(%arg8 : memref<50048xf32, #tpu.memory_space<vmem>>)
      %broadcast_in_dim3A = arith.constant 50048 : i32
      %broadcast_in_dim3A_283 = vector.broadcast %broadcast_in_dim3A : i32 to vector<16xi32>
      %broadcast_in_dim3A_284 = arith.constant 131071 : i32
      %broadcast_in_dim3A_285 = vector.broadcast %broadcast_in_dim3A_284 : i32 to vector<16xi32>
      %scan3A_286 = arith.constant 0 : i32
      %scan3A_287 = arith.constant 0 : i32
      %scan3A_288 = arith.constant 256 : i32
      %scan3A_289 = arith.addi %scan3A_287, %scan3A_288 : i32
      %scan3A_290 = arith.constant 1 : i32
      scf.for %scan3A_495 = %scan3A_287 to %scan3A_289 step %scan3A_290  : i32 {
        %mul3A_496 = arith.constant 16 : i32
        %mul3A_497 = arith.muli %scan3A_495, %mul3A_496 : i32
        %get3A = arith.index_cast %mul3A_497 : i32 to index
        %get3A_498 = tpu.vector_load %arg10[%get3A] {strides = array<i32>} : memref<4096xi32, #tpu.memory_space<vmem>>, vector<16xi32>,
        %lt3A_499 = arith.cmpi slt, %get3A_498, %broadcast_in_dim3A_283 : vector<16xi32>
        %gather3A = tpu.vector_load_idx %arg8[%get3A_498] masked %lt3A_499 : memref<50048xf32, #tpu.memory_space<vmem>>[vector<16xi32>], vector<16xf32>, vector<16xi1>
        %swap3A = arith.index_cast %mul3A_497 : i32 to index
        %swap3A_500 = tpu.vector_load %arg11[%swap3A] {strides = array<i32>} : memref<4096xf32, #tpu.memory_space<vmem>>, vector<16xf32>,
        tpu.vector_store %arg11[%swap3A], %gather3A {strides = array<i32>} : memref<4096xf32, #tpu.memory_space<vmem>>, vector<16xf32>,
      }
      %scan3A_291 = arith.constant 256 : i32
      %lt3A = arith.constant 25 : i32
      %lt3A_292 = arith.cmpi slt, %add3A_215, %lt3A : i32
      %convert_element_type3A_293 = arith.extui %lt3A_292 : i1 to i32
      %cond3A_294 = arith.constant 0 : i32
      %cond3A_295 = arith.cmpi ne, %convert_element_type3A_293, %cond3A_294 : i32
      scf.if %cond3A_295 {
        %add3A_495 = arith.constant 1 : i32
        %add3A_496 = arith.addi %add3A_216, %add3A_495 : i32
        %jit3A_497 = arith.constant 32 : i32
        %div3A_498 = arith.divsi %add3A_496, %jit3A_497 : i32
        %sign3A_499 = arith.constant 0 : i32
        %sign3A_500 = arith.cmpi sgt, %add3A_496, %sign3A_499 : i32
        %sign3A_501 = arith.extui %sign3A_500 : i1 to i32
        %sign3A_502 = arith.constant 0 : i32
        %sign3A_503 = arith.cmpi slt, %add3A_496, %sign3A_502 : i32
        %sign3A_504 = arith.extui %sign3A_503 : i1 to i32
        %sign3A_505 = arith.subi %sign3A_501, %sign3A_504 : i32
        %sign3A_506 = arith.constant 0 : i32
        %sign3A_507 = arith.cmpi sgt, %jit3A_497, %sign3A_506 : i32
        %sign3A_508 = arith.extui %sign3A_507 : i1 to i32
        %sign3A_509 = arith.constant 0 : i32
        %sign3A_510 = arith.cmpi slt, %jit3A_497, %sign3A_509 : i32
        %sign3A_511 = arith.extui %sign3A_510 : i1 to i32
        %sign3A_512 = arith.subi %sign3A_508, %sign3A_511 : i32
        %ne3A_513 = arith.cmpi ne, %sign3A_505, %sign3A_512 : i32
        %rem3A_514 = arith.remsi %add3A_496, %jit3A_497 : i32
        %ne3A_515 = arith.constant 0 : i32
        %ne3A_516 = arith.cmpi ne, %rem3A_514, %ne3A_515 : i32
        %and3A_517 = arith.andi %ne3A_513, %ne3A_516 : i1
        %sub3A_518 = arith.constant 1 : i32
        %sub3A_519 = arith.subi %div3A_498, %sub3A_518 : i32
        %select_n3A_520 = arith.select %and3A_517, %sub3A_519, %div3A_498 : i32
        %mul3A_521 = arith.constant 32 : i32
        %mul3A_522 = arith.muli %select_n3A_520, %mul3A_521 : i32
        %sub3A_523 = arith.subi %add3A_496, %mul3A_522 : i32
        %dma_start3A_524 = arith.constant 0 : i32
        %dma_start3A_525 = tpu.memref_slice %arg4[%select_n3A_520, %sub3A_523, %dma_start3A_524] : memref<26x32x100000xf32, #tpu.memory_space<hbm>> -> memref<1x1x50048xf32, #tpu.memory_space<hbm>>
        %dma_start3A_526 = tpu.memref_squeeze %dma_start3A_525 : memref<1x1x50048xf32, #tpu.memory_space<hbm>> -> memref<50048xf32, #tpu.memory_space<hbm>>
        %dma_start3A_527 = arith.constant 0 : i32
        %dma_start3A_528 = tpu.memref_slice %arg4[%select_n3A_520, %sub3A_523, %dma_start3A_527] : memref<26x32x100000xf32, #tpu.memory_space<hbm>> -> memref<1x1x50048xf32, #tpu.memory_space<hbm>>
        %dma_start3A_529 = tpu.memref_squeeze %dma_start3A_528 : memref<1x1x50048xf32, #tpu.memory_space<hbm>> -> memref<50048xf32, #tpu.memory_space<hbm>>
        tpu.enqueue_dma source(%dma_start3A_529 : memref<50048xf32, #tpu.memory_space<hbm>>) target(%arg8 : memref<50048xf32, #tpu.memory_space<vmem>>) target_semaphore(%arg17 : memref<!tpu.dma_semaphore, #tpu.memory_space<semaphore_mem>>)
      } else {
      }
      %lt3A_296 = arith.constant 16 : i32
      %lt3A_297 = arith.cmpi slt, %add3A_215, %lt3A_296 : i32
      %convert_element_type3A_298 = arith.extui %lt3A_297 : i1 to i32
      %cond3A_299 = arith.constant 0 : i32
      %cond3A_300 = arith.cmpi ne, %convert_element_type3A_298, %cond3A_299 : i32
      scf.if %cond3A_300 {
        %mul3A_495 = arith.constant 16 : i32
        %mul3A_496 = arith.muli %add3A, %mul3A_495 : i32
        %add3A_497 = arith.addi %mul3A_496, %add3A_215 : i32
        %gt3A_498 = arith.constant 0 : i32
        %gt3A_499 = arith.cmpi sgt, %add3A_215, %gt3A_498 : i32
        %convert_element_type3A_500 = arith.extui %gt3A_499 : i1 to i32
        %cond3A_501 = arith.constant 0 : i32
        %cond3A_502 = arith.cmpi ne, %convert_element_type3A_500, %cond3A_501 : i32
        scf.if %cond3A_502 {
          %sub3A_574 = arith.constant 1 : i32
          %sub3A_575 = arith.subi %add3A_497, %sub3A_574 : i32
          %jit3A_576 = arith.constant 32 : i32
          %div3A_577 = arith.divsi %sub3A_575, %jit3A_576 : i32
          %sign3A_578 = arith.constant 0 : i32
          %sign3A_579 = arith.cmpi sgt, %sub3A_575, %sign3A_578 : i32
          %sign3A_580 = arith.extui %sign3A_579 : i1 to i32
          %sign3A_581 = arith.constant 0 : i32
          %sign3A_582 = arith.cmpi slt, %sub3A_575, %sign3A_581 : i32
          %sign3A_583 = arith.extui %sign3A_582 : i1 to i32
          %sign3A_584 = arith.subi %sign3A_580, %sign3A_583 : i32
          %sign3A_585 = arith.constant 0 : i32
          %sign3A_586 = arith.cmpi sgt, %jit3A_576, %sign3A_585 : i32
          %sign3A_587 = arith.extui %sign3A_586 : i1 to i32
          %sign3A_588 = arith.constant 0 : i32
          %sign3A_589 = arith.cmpi slt, %jit3A_576, %sign3A_588 : i32
          %sign3A_590 = arith.extui %sign3A_589 : i1 to i32
          %sign3A_591 = arith.subi %sign3A_587, %sign3A_590 : i32
          %ne3A_592 = arith.cmpi ne, %sign3A_584, %sign3A_591 : i32
          %rem3A_593 = arith.remsi %sub3A_575, %jit3A_576 : i32
          %ne3A_594 = arith.constant 0 : i32
          %ne3A_595 = arith.cmpi ne, %rem3A_593, %ne3A_594 : i32
          %and3A_596 = arith.andi %ne3A_592, %ne3A_595 : i1
          %sub3A_597 = arith.constant 1 : i32
          %sub3A_598 = arith.subi %div3A_577, %sub3A_597 : i32
          %select_n3A_599 = arith.select %and3A_596, %sub3A_598, %div3A_577 : i32
          %mul3A_600 = arith.constant 32 : i32
          %mul3A_601 = arith.muli %select_n3A_599, %mul3A_600 : i32
          %sub3A_602 = arith.subi %sub3A_575, %mul3A_601 : i32
          %add3A_603 = arith.constant 26 : i32
          %add3A_604 = arith.addi %add3A_603, %select_n3A_599 : i32
          %dma_wait3A_605 = arith.constant 0 : i32
          %dma_wait3A_606 = tpu.memref_slice %arg7[%add3A_604, %sub3A_602, %dma_wait3A_605] : memref<42x32x4096xf32, #tpu.memory_space<hbm>> -> memref<1x1x4096xf32, #tpu.memory_space<hbm>>
          %dma_wait3A_607 = tpu.memref_squeeze %dma_wait3A_606 : memref<1x1x4096xf32, #tpu.memory_space<hbm>> -> memref<4096xf32, #tpu.memory_space<hbm>>
          %dma_wait3A_608 = arith.constant 0 : i32
          %dma_wait3A_609 = tpu.memref_slice %arg7[%add3A_604, %sub3A_602, %dma_wait3A_608] : memref<42x32x4096xf32, #tpu.memory_space<hbm>> -> memref<1x1x4096xf32, #tpu.memory_space<hbm>>
          %dma_wait3A_610 = tpu.memref_squeeze %dma_wait3A_609 : memref<1x1x4096xf32, #tpu.memory_space<hbm>> -> memref<4096xf32, #tpu.memory_space<hbm>>
          tpu.wait_dma2 semaphore(%arg21 : memref<!tpu.dma_semaphore, #tpu.memory_space<semaphore_mem>>) src(%arg13 : memref<4096xf32, #tpu.memory_space<vmem>>) dst(%dma_wait3A_610 : memref<4096xf32, #tpu.memory_space<hbm>>)
        } else {
        }
        %jit3A_503 = arith.constant 32 : i32
        %div3A_504 = arith.divsi %add3A_497, %jit3A_503 : i32
        %sign3A_505 = arith.constant 0 : i32
        %sign3A_506 = arith.cmpi sgt, %add3A_497, %sign3A_505 : i32
        %sign3A_507 = arith.extui %sign3A_506 : i1 to i32
        %sign3A_508 = arith.constant 0 : i32
        %sign3A_509 = arith.cmpi slt, %add3A_497, %sign3A_508 : i32
        %sign3A_510 = arith.extui %sign3A_509 : i1 to i32
        %sign3A_511 = arith.subi %sign3A_507, %sign3A_510 : i32
        %sign3A_512 = arith.constant 0 : i32
        %sign3A_513 = arith.cmpi sgt, %jit3A_503, %sign3A_512 : i32
        %sign3A_514 = arith.extui %sign3A_513 : i1 to i32
        %sign3A_515 = arith.constant 0 : i32
        %sign3A_516 = arith.cmpi slt, %jit3A_503, %sign3A_515 : i32
        %sign3A_517 = arith.extui %sign3A_516 : i1 to i32
        %sign3A_518 = arith.subi %sign3A_514, %sign3A_517 : i32
        %ne3A_519 = arith.cmpi ne, %sign3A_511, %sign3A_518 : i32
        %rem3A_520 = arith.remsi %add3A_497, %jit3A_503 : i32
        %ne3A_521 = arith.constant 0 : i32
        %ne3A_522 = arith.cmpi ne, %rem3A_520, %ne3A_521 : i32
        %and3A_523 = arith.andi %ne3A_519, %ne3A_522 : i1
        %sub3A_524 = arith.constant 1 : i32
        %sub3A_525 = arith.subi %div3A_504, %sub3A_524 : i32
        %select_n3A_526 = arith.select %and3A_523, %sub3A_525, %div3A_504 : i32
        %mul3A_527 = arith.constant 32 : i32
        %mul3A_528 = arith.muli %select_n3A_526, %mul3A_527 : i32
        %sub3A_529 = arith.subi %add3A_497, %mul3A_528 : i32
        %broadcast_in_dim3A_530 = vector.broadcast %select_n3A_526 : i32 to vector<16xi32>
        %broadcast_in_dim3A_531 = vector.broadcast %sub3A_529 : i32 to vector<16xi32>
        %gather3A = tpu.vector_load_idx %arg15[%broadcast_in_dim3A_530, %broadcast_in_dim3A_531] : memref<16x32xf32, #tpu.memory_space<vmem>>[vector<16xi32>, vector<16xi32>], vector<16xf32>,
        %gather3A_532 = tpu.vector_load_idx %arg16[%broadcast_in_dim3A_530, %broadcast_in_dim3A_531] : memref<16x32xf32, #tpu.memory_space<vmem>>[vector<16xi32>, vector<16xi32>], vector<16xf32>,
        %scan3A_533 = arith.constant 0 : i32
        %scan3A_534 = arith.constant 0 : i32
        %scan3A_535 = arith.constant 256 : i32
        %scan3A_536 = arith.addi %scan3A_534, %scan3A_535 : i32
        %scan3A_537 = arith.constant 1 : i32
        scf.for %scan3A_574 = %scan3A_534 to %scan3A_536 step %scan3A_537  : i32 {
          %mul3A_575 = arith.constant 16 : i32
          %mul3A_576 = arith.muli %scan3A_574, %mul3A_575 : i32
          %get3A = arith.index_cast %mul3A_576 : i32 to index
          %get3A_577 = tpu.vector_load %arg14[%get3A] {strides = array<i32>} : memref<4096xf32, #tpu.memory_space<vmem>>, vector<16xf32>,
          %mul3A_578 = arith.mulf %get3A_577, %gather3A : vector<16xf32>
          %add3A_579 = arith.addf %mul3A_578, %gather3A_532 : vector<16xf32>
          %swap3A = arith.index_cast %mul3A_576 : i32 to index
          %swap3A_580 = tpu.vector_load %arg13[%swap3A] {strides = array<i32>} : memref<4096xf32, #tpu.memory_space<vmem>>, vector<16xf32>,
          tpu.vector_store %arg13[%swap3A], %add3A_579 {strides = array<i32>} : memref<4096xf32, #tpu.memory_space<vmem>>, vector<16xf32>,
        }
        %scan3A_538 = arith.constant 256 : i32
        %jit3A_539 = arith.constant 32 : i32
        %div3A_540 = arith.divsi %add3A_497, %jit3A_539 : i32
        %sign3A_541 = arith.constant 0 : i32
        %sign3A_542 = arith.cmpi sgt, %add3A_497, %sign3A_541 : i32
        %sign3A_543 = arith.extui %sign3A_542 : i1 to i32
        %sign3A_544 = arith.constant 0 : i32
        %sign3A_545 = arith.cmpi slt, %add3A_497, %sign3A_544 : i32
        %sign3A_546 = arith.extui %sign3A_545 : i1 to i32
        %sign3A_547 = arith.subi %sign3A_543, %sign3A_546 : i32
        %sign3A_548 = arith.constant 0 : i32
        %sign3A_549 = arith.cmpi sgt, %jit3A_539, %sign3A_548 : i32
        %sign3A_550 = arith.extui %sign3A_549 : i1 to i32
        %sign3A_551 = arith.constant 0 : i32
        %sign3A_552 = arith.cmpi slt, %jit3A_539, %sign3A_551 : i32
        %sign3A_553 = arith.extui %sign3A_552 : i1 to i32
        %sign3A_554 = arith.subi %sign3A_550, %sign3A_553 : i32
        %ne3A_555 = arith.cmpi ne, %sign3A_547, %sign3A_554 : i32
        %rem3A_556 = arith.remsi %add3A_497, %jit3A_539 : i32
        %ne3A_557 = arith.constant 0 : i32
        %ne3A_558 = arith.cmpi ne, %rem3A_556, %ne3A_557 : i32
        %and3A_559 = arith.andi %ne3A_555, %ne3A_558 : i1
        %sub3A_560 = arith.constant 1 : i32
        %sub3A_561 = arith.subi %div3A_540, %sub3A_560 : i32
        %select_n3A_562 = arith.select %and3A_559, %sub3A_561, %div3A_540 : i32
        %mul3A_563 = arith.constant 32 : i32
        %mul3A_564 = arith.muli %select_n3A_562, %mul3A_563 : i32
        %sub3A_565 = arith.subi %add3A_497, %mul3A_564 : i32
        %add3A_566 = arith.constant 26 : i32
        %add3A_567 = arith.addi %add3A_566, %select_n3A_562 : i32
        %dma_start3A_568 = arith.constant 0 : i32
        %dma_start3A_569 = tpu.memref_slice %arg7[%add3A_567, %sub3A_565, %dma_start3A_568] : memref<42x32x4096xf32, #tpu.memory_space<hbm>> -> memref<1x1x4096xf32, #tpu.memory_space<hbm>>
        %dma_start3A_570 = tpu.memref_squeeze %dma_start3A_569 : memref<1x1x4096xf32, #tpu.memory_space<hbm>> -> memref<4096xf32, #tpu.memory_space<hbm>>
        %dma_start3A_571 = arith.constant 0 : i32
        %dma_start3A_572 = tpu.memref_slice %arg7[%add3A_567, %sub3A_565, %dma_start3A_571] : memref<42x32x4096xf32, #tpu.memory_space<hbm>> -> memref<1x1x4096xf32, #tpu.memory_space<hbm>>
        %dma_start3A_573 = tpu.memref_squeeze %dma_start3A_572 : memref<1x1x4096xf32, #tpu.memory_space<hbm>> -> memref<4096xf32, #tpu.memory_space<hbm>>
        tpu.enqueue_dma source(%arg13 : memref<4096xf32, #tpu.memory_space<vmem>>) target(%dma_start3A_573 : memref<4096xf32, #tpu.memory_space<hbm>>) target_semaphore(%arg21 : memref<!tpu.dma_semaphore, #tpu.memory_space<semaphore_mem>>)
      } else {
      }
      %jit3A_301 = arith.constant 32 : i32
      %div3A_302 = arith.divsi %add3A_216, %jit3A_301 : i32
      %sign3A_303 = arith.constant 0 : i32
      %sign3A_304 = arith.cmpi sgt, %add3A_216, %sign3A_303 : i32
      %sign3A_305 = arith.extui %sign3A_304 : i1 to i32
      %sign3A_306 = arith.constant 0 : i32
      %sign3A_307 = arith.cmpi slt, %add3A_216, %sign3A_306 : i32
      %sign3A_308 = arith.extui %sign3A_307 : i1 to i32
      %sign3A_309 = arith.subi %sign3A_305, %sign3A_308 : i32
      %sign3A_310 = arith.constant 0 : i32
      %sign3A_311 = arith.cmpi sgt, %jit3A_301, %sign3A_310 : i32
      %sign3A_312 = arith.extui %sign3A_311 : i1 to i32
      %sign3A_313 = arith.constant 0 : i32
      %sign3A_314 = arith.cmpi slt, %jit3A_301, %sign3A_313 : i32
      %sign3A_315 = arith.extui %sign3A_314 : i1 to i32
      %sign3A_316 = arith.subi %sign3A_312, %sign3A_315 : i32
      %ne3A_317 = arith.cmpi ne, %sign3A_309, %sign3A_316 : i32
      %rem3A_318 = arith.remsi %add3A_216, %jit3A_301 : i32
      %ne3A_319 = arith.constant 0 : i32
      %ne3A_320 = arith.cmpi ne, %rem3A_318, %ne3A_319 : i32
      %and3A_321 = arith.andi %ne3A_317, %ne3A_320 : i1
      %sub3A_322 = arith.constant 1 : i32
      %sub3A_323 = arith.subi %div3A_302, %sub3A_322 : i32
      %select_n3A_324 = arith.select %and3A_321, %sub3A_323, %div3A_302 : i32
      %mul3A_325 = arith.constant 32 : i32
      %mul3A_326 = arith.muli %select_n3A_324, %mul3A_325 : i32
      %sub3A_327 = arith.subi %add3A_216, %mul3A_326 : i32
      %dma_wait3A_328 = arith.constant 50048 : i32
      %dma_wait3A_329 = tpu.memref_slice %arg4[%select_n3A_324, %sub3A_327, %dma_wait3A_328] : memref<26x32x100000xf32, #tpu.memory_space<hbm>> -> memref<1x1x49952xf32, #tpu.memory_space<hbm>>
      %dma_wait3A_330 = tpu.memref_squeeze %dma_wait3A_329 : memref<1x1x49952xf32, #tpu.memory_space<hbm>> -> memref<49952xf32, #tpu.memory_space<hbm>>
      %dma_wait3A_331 = arith.constant 50048 : i32
      %dma_wait3A_332 = tpu.memref_slice %arg4[%select_n3A_324, %sub3A_327, %dma_wait3A_331] : memref<26x32x100000xf32, #tpu.memory_space<hbm>> -> memref<1x1x49952xf32, #tpu.memory_space<hbm>>
      %dma_wait3A_333 = tpu.memref_squeeze %dma_wait3A_332 : memref<1x1x49952xf32, #tpu.memory_space<hbm>> -> memref<49952xf32, #tpu.memory_space<hbm>>
      tpu.wait_dma2 semaphore(%arg18 : memref<!tpu.dma_semaphore, #tpu.memory_space<semaphore_mem>>) src(%dma_wait3A_333 : memref<49952xf32, #tpu.memory_space<hbm>>) dst(%arg9 : memref<49952xf32, #tpu.memory_space<vmem>>)
      %scan3A_334 = arith.constant 0 : i32
      %scan3A_335 = arith.constant 0 : i32
      %scan3A_336 = arith.constant 256 : i32
      %scan3A_337 = arith.addi %scan3A_335, %scan3A_336 : i32
      %scan3A_338 = arith.constant 1 : i32
      scf.for %scan3A_495 = %scan3A_335 to %scan3A_337 step %scan3A_338  : i32 {
        %mul3A_496 = arith.constant 16 : i32
        %mul3A_497 = arith.muli %scan3A_495, %mul3A_496 : i32
        %get3A = arith.index_cast %mul3A_497 : i32 to index
        %get3A_498 = tpu.vector_load %arg10[%get3A] {strides = array<i32>} : memref<4096xi32, #tpu.memory_space<vmem>>, vector<16xi32>,
        %ge3A = arith.cmpi sge, %get3A_498, %broadcast_in_dim3A_283 : vector<16xi32>
        %sub3A_499 = arith.subi %get3A_498, %broadcast_in_dim3A_283 : vector<16xi32>
        %and3A_500 = arith.andi %sub3A_499, %broadcast_in_dim3A_285 : vector<16xi32>
        %gather3A = tpu.vector_load_idx %arg9[%and3A_500] masked %ge3A : memref<49952xf32, #tpu.memory_space<vmem>>[vector<16xi32>], vector<16xf32>, vector<16xi1>
        %get3A_501 = arith.index_cast %mul3A_497 : i32 to index
        %get3A_502 = tpu.vector_load %arg11[%get3A_501] {strides = array<i32>} : memref<4096xf32, #tpu.memory_space<vmem>>, vector<16xf32>,
        %select_n3A_503 = arith.select %ge3A, %gather3A, %get3A_502 : vector<16xi1>, vector<16xf32>
        %swap3A = arith.index_cast %mul3A_497 : i32 to index
        %swap3A_504 = tpu.vector_load %arg11[%swap3A] {strides = array<i32>} : memref<4096xf32, #tpu.memory_space<vmem>>, vector<16xf32>,
        tpu.vector_store %arg11[%swap3A], %select_n3A_503 {strides = array<i32>} : memref<4096xf32, #tpu.memory_space<vmem>>, vector<16xf32>,
      }
      %scan3A_339 = arith.constant 256 : i32
      %lt3A_340 = arith.constant 25 : i32
      %lt3A_341 = arith.cmpi slt, %add3A_215, %lt3A_340 : i32
      %convert_element_type3A_342 = arith.extui %lt3A_341 : i1 to i32
      %cond3A_343 = arith.constant 0 : i32
      %cond3A_344 = arith.cmpi ne, %convert_element_type3A_342, %cond3A_343 : i32
      scf.if %cond3A_344 {
        %add3A_495 = arith.constant 1 : i32
        %add3A_496 = arith.addi %add3A_216, %add3A_495 : i32
        %jit3A_497 = arith.constant 32 : i32
        %div3A_498 = arith.divsi %add3A_496, %jit3A_497 : i32
        %sign3A_499 = arith.constant 0 : i32
        %sign3A_500 = arith.cmpi sgt, %add3A_496, %sign3A_499 : i32
        %sign3A_501 = arith.extui %sign3A_500 : i1 to i32
        %sign3A_502 = arith.constant 0 : i32
        %sign3A_503 = arith.cmpi slt, %add3A_496, %sign3A_502 : i32
        %sign3A_504 = arith.extui %sign3A_503 : i1 to i32
        %sign3A_505 = arith.subi %sign3A_501, %sign3A_504 : i32
        %sign3A_506 = arith.constant 0 : i32
        %sign3A_507 = arith.cmpi sgt, %jit3A_497, %sign3A_506 : i32
        %sign3A_508 = arith.extui %sign3A_507 : i1 to i32
        %sign3A_509 = arith.constant 0 : i32
        %sign3A_510 = arith.cmpi slt, %jit3A_497, %sign3A_509 : i32
        %sign3A_511 = arith.extui %sign3A_510 : i1 to i32
        %sign3A_512 = arith.subi %sign3A_508, %sign3A_511 : i32
        %ne3A_513 = arith.cmpi ne, %sign3A_505, %sign3A_512 : i32
        %rem3A_514 = arith.remsi %add3A_496, %jit3A_497 : i32
        %ne3A_515 = arith.constant 0 : i32
        %ne3A_516 = arith.cmpi ne, %rem3A_514, %ne3A_515 : i32
        %and3A_517 = arith.andi %ne3A_513, %ne3A_516 : i1
        %sub3A_518 = arith.constant 1 : i32
        %sub3A_519 = arith.subi %div3A_498, %sub3A_518 : i32
        %select_n3A_520 = arith.select %and3A_517, %sub3A_519, %div3A_498 : i32
        %mul3A_521 = arith.constant 32 : i32
        %mul3A_522 = arith.muli %select_n3A_520, %mul3A_521 : i32
        %sub3A_523 = arith.subi %add3A_496, %mul3A_522 : i32
        %dma_start3A_524 = arith.constant 50048 : i32
        %dma_start3A_525 = tpu.memref_slice %arg4[%select_n3A_520, %sub3A_523, %dma_start3A_524] : memref<26x32x100000xf32, #tpu.memory_space<hbm>> -> memref<1x1x49952xf32, #tpu.memory_space<hbm>>
        %dma_start3A_526 = tpu.memref_squeeze %dma_start3A_525 : memref<1x1x49952xf32, #tpu.memory_space<hbm>> -> memref<49952xf32, #tpu.memory_space<hbm>>
        %dma_start3A_527 = arith.constant 50048 : i32
        %dma_start3A_528 = tpu.memref_slice %arg4[%select_n3A_520, %sub3A_523, %dma_start3A_527] : memref<26x32x100000xf32, #tpu.memory_space<hbm>> -> memref<1x1x49952xf32, #tpu.memory_space<hbm>>
        %dma_start3A_529 = tpu.memref_squeeze %dma_start3A_528 : memref<1x1x49952xf32, #tpu.memory_space<hbm>> -> memref<49952xf32, #tpu.memory_space<hbm>>
        tpu.enqueue_dma source(%dma_start3A_529 : memref<49952xf32, #tpu.memory_space<hbm>>) target(%arg9 : memref<49952xf32, #tpu.memory_space<vmem>>) target_semaphore(%arg18 : memref<!tpu.dma_semaphore, #tpu.memory_space<semaphore_mem>>)
      } else {
      }
      %dma_start3A_345 = arith.constant 0 : i32
      %dma_start3A_346 = tpu.memref_slice %arg7[%select_n3A_240, %sub3A_243, %dma_start3A_345] : memref<42x32x4096xf32, #tpu.memory_space<hbm>> -> memref<1x1x4096xf32, #tpu.memory_space<hbm>>
      %dma_start3A_347 = tpu.memref_squeeze %dma_start3A_346 : memref<1x1x4096xf32, #tpu.memory_space<hbm>> -> memref<4096xf32, #tpu.memory_space<hbm>>
      %dma_start3A_348 = arith.constant 0 : i32
      %dma_start3A_349 = tpu.memref_slice %arg7[%select_n3A_240, %sub3A_243, %dma_start3A_348] : memref<42x32x4096xf32, #tpu.memory_space<hbm>> -> memref<1x1x4096xf32, #tpu.memory_space<hbm>>
      %dma_start3A_350 = tpu.memref_squeeze %dma_start3A_349 : memref<1x1x4096xf32, #tpu.memory_space<hbm>> -> memref<4096xf32, #tpu.memory_space<hbm>>
      tpu.enqueue_dma source(%arg11 : memref<4096xf32, #tpu.memory_space<vmem>>) target(%dma_start3A_350 : memref<4096xf32, #tpu.memory_space<hbm>>) target_semaphore(%arg19 : memref<!tpu.dma_semaphore, #tpu.memory_space<semaphore_mem>>)
      %mul3A_351 = arith.constant 2 : i32
      %mul3A_352 = arith.muli %scan3A_210, %mul3A_351 : i32
      %add3A_353 = arith.constant 1 : i32
      %add3A_354 = arith.addi %mul3A_352, %add3A_353 : i32
      %add3A_355 = arith.addi %mul3A_2, %add3A_354 : i32
      %jit3A_356 = arith.constant 32 : i32
      %div3A_357 = arith.divsi %add3A_355, %jit3A_356 : i32
      %sign3A_358 = arith.constant 0 : i32
      %sign3A_359 = arith.cmpi sgt, %add3A_355, %sign3A_358 : i32
      %sign3A_360 = arith.extui %sign3A_359 : i1 to i32
      %sign3A_361 = arith.constant 0 : i32
      %sign3A_362 = arith.cmpi slt, %add3A_355, %sign3A_361 : i32
      %sign3A_363 = arith.extui %sign3A_362 : i1 to i32
      %sign3A_364 = arith.subi %sign3A_360, %sign3A_363 : i32
      %sign3A_365 = arith.constant 0 : i32
      %sign3A_366 = arith.cmpi sgt, %jit3A_356, %sign3A_365 : i32
      %sign3A_367 = arith.extui %sign3A_366 : i1 to i32
      %sign3A_368 = arith.constant 0 : i32
      %sign3A_369 = arith.cmpi slt, %jit3A_356, %sign3A_368 : i32
      %sign3A_370 = arith.extui %sign3A_369 : i1 to i32
      %sign3A_371 = arith.subi %sign3A_367, %sign3A_370 : i32
      %ne3A_372 = arith.cmpi ne, %sign3A_364, %sign3A_371 : i32
      %rem3A_373 = arith.remsi %add3A_355, %jit3A_356 : i32
      %ne3A_374 = arith.constant 0 : i32
      %ne3A_375 = arith.cmpi ne, %rem3A_373, %ne3A_374 : i32
      %and3A_376 = arith.andi %ne3A_372, %ne3A_375 : i1
      %sub3A_377 = arith.constant 1 : i32
      %sub3A_378 = arith.subi %div3A_357, %sub3A_377 : i32
      %select_n3A_379 = arith.select %and3A_376, %sub3A_378, %div3A_357 : i32
      %mul3A_380 = arith.constant 32 : i32
      %mul3A_381 = arith.muli %select_n3A_379, %mul3A_380 : i32
      %sub3A_382 = arith.subi %add3A_355, %mul3A_381 : i32
      %ne3A_383 = arith.cmpi ne, %select_n3A_379, %select_n3A_240 : i32
      %convert_element_type3A_384 = arith.extui %ne3A_383 : i1 to i32
      %cond3A_385 = arith.constant 0 : i32
      %cond3A_386 = arith.cmpi ne, %convert_element_type3A_384, %cond3A_385 : i32
      scf.if %cond3A_386 {
        "tpu.region"() ({
          %run_scoped3A = tpu.sem_alloc : memref<!tpu.dma_semaphore, #tpu.memory_space<semaphore_mem>>
          %dma_start3A_495 = arith.constant 0 : i32
          %dma_start3A_496 = tpu.memref_slice %arg2[%select_n3A_379, %dma_start3A_495] : memref<26x4096xi32, #tpu.memory_space<hbm>> -> memref<1x4096xi32, #tpu.memory_space<hbm>>
          %dma_start3A_497 = tpu.memref_squeeze %dma_start3A_496 : memref<1x4096xi32, #tpu.memory_space<hbm>> -> memref<4096xi32, #tpu.memory_space<hbm>>
          %dma_start3A_498 = arith.constant 0 : i32
          %dma_start3A_499 = tpu.memref_slice %arg2[%select_n3A_379, %dma_start3A_498] : memref<26x4096xi32, #tpu.memory_space<hbm>> -> memref<1x4096xi32, #tpu.memory_space<hbm>>
          %dma_start3A_500 = tpu.memref_squeeze %dma_start3A_499 : memref<1x4096xi32, #tpu.memory_space<hbm>> -> memref<4096xi32, #tpu.memory_space<hbm>>
          tpu.enqueue_dma source(%dma_start3A_500 : memref<4096xi32, #tpu.memory_space<hbm>>) target(%arg10 : memref<4096xi32, #tpu.memory_space<vmem>>) target_semaphore(%run_scoped3A : memref<!tpu.dma_semaphore, #tpu.memory_space<semaphore_mem>>)
          %dma_wait3A_501 = arith.constant 0 : i32
          %dma_wait3A_502 = tpu.memref_slice %arg2[%select_n3A_379, %dma_wait3A_501] : memref<26x4096xi32, #tpu.memory_space<hbm>> -> memref<1x4096xi32, #tpu.memory_space<hbm>>
          %dma_wait3A_503 = tpu.memref_squeeze %dma_wait3A_502 : memref<1x4096xi32, #tpu.memory_space<hbm>> -> memref<4096xi32, #tpu.memory_space<hbm>>
          %dma_wait3A_504 = arith.constant 0 : i32
          %dma_wait3A_505 = tpu.memref_slice %arg2[%select_n3A_379, %dma_wait3A_504] : memref<26x4096xi32, #tpu.memory_space<hbm>> -> memref<1x4096xi32, #tpu.memory_space<hbm>>
          %dma_wait3A_506 = tpu.memref_squeeze %dma_wait3A_505 : memref<1x4096xi32, #tpu.memory_space<hbm>> -> memref<4096xi32, #tpu.memory_space<hbm>>
          tpu.wait_dma2 semaphore(%run_scoped3A : memref<!tpu.dma_semaphore, #tpu.memory_space<semaphore_mem>>) src(%dma_wait3A_506 : memref<4096xi32, #tpu.memory_space<hbm>>) dst(%arg10 : memref<4096xi32, #tpu.memory_space<vmem>>)
          tpu.yield
        }) : () -> ()
      } else {
      }
      %gt3A_387 = arith.constant 0 : i32
      %gt3A_388 = arith.cmpi sgt, %scan3A_210, %gt3A_387 : i32
      %convert_element_type3A_389 = arith.extui %gt3A_388 : i1 to i32
      %cond3A_390 = arith.constant 0 : i32
      %cond3A_391 = arith.cmpi ne, %convert_element_type3A_389, %cond3A_390 : i32
      scf.if %cond3A_391 {
        %sub3A_495 = arith.constant 2 : i32
        %sub3A_496 = arith.subi %add3A_355, %sub3A_495 : i32
        %jit3A_497 = arith.constant 32 : i32
        %div3A_498 = arith.divsi %sub3A_496, %jit3A_497 : i32
        %sign3A_499 = arith.constant 0 : i32
        %sign3A_500 = arith.cmpi sgt, %sub3A_496, %sign3A_499 : i32
        %sign3A_501 = arith.extui %sign3A_500 : i1 to i32
        %sign3A_502 = arith.constant 0 : i32
        %sign3A_503 = arith.cmpi slt, %sub3A_496, %sign3A_502 : i32
        %sign3A_504 = arith.extui %sign3A_503 : i1 to i32
        %sign3A_505 = arith.subi %sign3A_501, %sign3A_504 : i32
        %sign3A_506 = arith.constant 0 : i32
        %sign3A_507 = arith.cmpi sgt, %jit3A_497, %sign3A_506 : i32
        %sign3A_508 = arith.extui %sign3A_507 : i1 to i32
        %sign3A_509 = arith.constant 0 : i32
        %sign3A_510 = arith.cmpi slt, %jit3A_497, %sign3A_509 : i32
        %sign3A_511 = arith.extui %sign3A_510 : i1 to i32
        %sign3A_512 = arith.subi %sign3A_508, %sign3A_511 : i32
        %ne3A_513 = arith.cmpi ne, %sign3A_505, %sign3A_512 : i32
        %rem3A_514 = arith.remsi %sub3A_496, %jit3A_497 : i32
        %ne3A_515 = arith.constant 0 : i32
        %ne3A_516 = arith.cmpi ne, %rem3A_514, %ne3A_515 : i32
        %and3A_517 = arith.andi %ne3A_513, %ne3A_516 : i1
        %sub3A_518 = arith.constant 1 : i32
        %sub3A_519 = arith.subi %div3A_498, %sub3A_518 : i32
        %select_n3A_520 = arith.select %and3A_517, %sub3A_519, %div3A_498 : i32
        %mul3A_521 = arith.constant 32 : i32
        %mul3A_522 = arith.muli %select_n3A_520, %mul3A_521 : i32
        %sub3A_523 = arith.subi %sub3A_496, %mul3A_522 : i32
        %dma_wait3A_524 = arith.constant 0 : i32
        %dma_wait3A_525 = tpu.memref_slice %arg7[%select_n3A_520, %sub3A_523, %dma_wait3A_524] : memref<42x32x4096xf32, #tpu.memory_space<hbm>> -> memref<1x1x4096xf32, #tpu.memory_space<hbm>>
        %dma_wait3A_526 = tpu.memref_squeeze %dma_wait3A_525 : memref<1x1x4096xf32, #tpu.memory_space<hbm>> -> memref<4096xf32, #tpu.memory_space<hbm>>
        %dma_wait3A_527 = arith.constant 0 : i32
        %dma_wait3A_528 = tpu.memref_slice %arg7[%select_n3A_520, %sub3A_523, %dma_wait3A_527] : memref<42x32x4096xf32, #tpu.memory_space<hbm>> -> memref<1x1x4096xf32, #tpu.memory_space<hbm>>
        %dma_wait3A_529 = tpu.memref_squeeze %dma_wait3A_528 : memref<1x1x4096xf32, #tpu.memory_space<hbm>> -> memref<4096xf32, #tpu.memory_space<hbm>>
        tpu.wait_dma2 semaphore(%arg20 : memref<!tpu.dma_semaphore, #tpu.memory_space<semaphore_mem>>) src(%arg12 : memref<4096xf32, #tpu.memory_space<vmem>>) dst(%dma_wait3A_529 : memref<4096xf32, #tpu.memory_space<hbm>>)
      } else {
      }
      %jit3A_392 = arith.constant 32 : i32
      %div3A_393 = arith.divsi %add3A_355, %jit3A_392 : i32
      %sign3A_394 = arith.constant 0 : i32
      %sign3A_395 = arith.cmpi sgt, %add3A_355, %sign3A_394 : i32
      %sign3A_396 = arith.extui %sign3A_395 : i1 to i32
      %sign3A_397 = arith.constant 0 : i32
      %sign3A_398 = arith.cmpi slt, %add3A_355, %sign3A_397 : i32
      %sign3A_399 = arith.extui %sign3A_398 : i1 to i32
      %sign3A_400 = arith.subi %sign3A_396, %sign3A_399 : i32
      %sign3A_401 = arith.constant 0 : i32
      %sign3A_402 = arith.cmpi sgt, %jit3A_392, %sign3A_401 : i32
      %sign3A_403 = arith.extui %sign3A_402 : i1 to i32
      %sign3A_404 = arith.constant 0 : i32
      %sign3A_405 = arith.cmpi slt, %jit3A_392, %sign3A_404 : i32
      %sign3A_406 = arith.extui %sign3A_405 : i1 to i32
      %sign3A_407 = arith.subi %sign3A_403, %sign3A_406 : i32
      %ne3A_408 = arith.cmpi ne, %sign3A_400, %sign3A_407 : i32
      %rem3A_409 = arith.remsi %add3A_355, %jit3A_392 : i32
      %ne3A_410 = arith.constant 0 : i32
      %ne3A_411 = arith.cmpi ne, %rem3A_409, %ne3A_410 : i32
      %and3A_412 = arith.andi %ne3A_408, %ne3A_411 : i1
      %sub3A_413 = arith.constant 1 : i32
      %sub3A_414 = arith.subi %div3A_393, %sub3A_413 : i32
      %select_n3A_415 = arith.select %and3A_412, %sub3A_414, %div3A_393 : i32
      %mul3A_416 = arith.constant 32 : i32
      %mul3A_417 = arith.muli %select_n3A_415, %mul3A_416 : i32
      %sub3A_418 = arith.subi %add3A_355, %mul3A_417 : i32
      %dma_wait3A_419 = arith.constant 0 : i32
      %dma_wait3A_420 = tpu.memref_slice %arg4[%select_n3A_415, %sub3A_418, %dma_wait3A_419] : memref<26x32x100000xf32, #tpu.memory_space<hbm>> -> memref<1x1x50048xf32, #tpu.memory_space<hbm>>
      %dma_wait3A_421 = tpu.memref_squeeze %dma_wait3A_420 : memref<1x1x50048xf32, #tpu.memory_space<hbm>> -> memref<50048xf32, #tpu.memory_space<hbm>>
      %dma_wait3A_422 = arith.constant 0 : i32
      %dma_wait3A_423 = tpu.memref_slice %arg4[%select_n3A_415, %sub3A_418, %dma_wait3A_422] : memref<26x32x100000xf32, #tpu.memory_space<hbm>> -> memref<1x1x50048xf32, #tpu.memory_space<hbm>>
      %dma_wait3A_424 = tpu.memref_squeeze %dma_wait3A_423 : memref<1x1x50048xf32, #tpu.memory_space<hbm>> -> memref<50048xf32, #tpu.memory_space<hbm>>
      tpu.wait_dma2 semaphore(%arg17 : memref<!tpu.dma_semaphore, #tpu.memory_space<semaphore_mem>>) src(%dma_wait3A_424 : memref<50048xf32, #tpu.memory_space<hbm>>) dst(%arg8 : memref<50048xf32, #tpu.memory_space<vmem>>)
      %broadcast_in_dim3A_425 = arith.constant 50048 : i32
      %broadcast_in_dim3A_426 = vector.broadcast %broadcast_in_dim3A_425 : i32 to vector<16xi32>
      %broadcast_in_dim3A_427 = arith.constant 131071 : i32
      %broadcast_in_dim3A_428 = vector.broadcast %broadcast_in_dim3A_427 : i32 to vector<16xi32>
      %scan3A_429 = arith.constant 0 : i32
      %scan3A_430 = arith.constant 0 : i32
      %scan3A_431 = arith.constant 256 : i32
      %scan3A_432 = arith.addi %scan3A_430, %scan3A_431 : i32
      %scan3A_433 = arith.constant 1 : i32
      scf.for %scan3A_495 = %scan3A_430 to %scan3A_432 step %scan3A_433  : i32 {
        %mul3A_496 = arith.constant 16 : i32
        %mul3A_497 = arith.muli %scan3A_495, %mul3A_496 : i32
        %get3A = arith.index_cast %mul3A_497 : i32 to index
        %get3A_498 = tpu.vector_load %arg10[%get3A] {strides = array<i32>} : memref<4096xi32, #tpu.memory_space<vmem>>, vector<16xi32>,
        %lt3A_499 = arith.cmpi slt, %get3A_498, %broadcast_in_dim3A_426 : vector<16xi32>
        %gather3A = tpu.vector_load_idx %arg8[%get3A_498] masked %lt3A_499 : memref<50048xf32, #tpu.memory_space<vmem>>[vector<16xi32>], vector<16xf32>, vector<16xi1>
        %swap3A = arith.index_cast %mul3A_497 : i32 to index
        %swap3A_500 = tpu.vector_load %arg12[%swap3A] {strides = array<i32>} : memref<4096xf32, #tpu.memory_space<vmem>>, vector<16xf32>,
        tpu.vector_store %arg12[%swap3A], %gather3A {strides = array<i32>} : memref<4096xf32, #tpu.memory_space<vmem>>, vector<16xf32>,
      }
      %scan3A_434 = arith.constant 256 : i32
      %lt3A_435 = arith.constant 25 : i32
      %lt3A_436 = arith.cmpi slt, %add3A_354, %lt3A_435 : i32
      %convert_element_type3A_437 = arith.extui %lt3A_436 : i1 to i32
      %cond3A_438 = arith.constant 0 : i32
      %cond3A_439 = arith.cmpi ne, %convert_element_type3A_437, %cond3A_438 : i32
      scf.if %cond3A_439 {
        %add3A_495 = arith.constant 1 : i32
        %add3A_496 = arith.addi %add3A_355, %add3A_495 : i32
        %jit3A_497 = arith.constant 32 : i32
        %div3A_498 = arith.divsi %add3A_496, %jit3A_497 : i32
        %sign3A_499 = arith.constant 0 : i32
        %sign3A_500 = arith.cmpi sgt, %add3A_496, %sign3A_499 : i32
        %sign3A_501 = arith.extui %sign3A_500 : i1 to i32
        %sign3A_502 = arith.constant 0 : i32
        %sign3A_503 = arith.cmpi slt, %add3A_496, %sign3A_502 : i32
        %sign3A_504 = arith.extui %sign3A_503 : i1 to i32
        %sign3A_505 = arith.subi %sign3A_501, %sign3A_504 : i32
        %sign3A_506 = arith.constant 0 : i32
        %sign3A_507 = arith.cmpi sgt, %jit3A_497, %sign3A_506 : i32
        %sign3A_508 = arith.extui %sign3A_507 : i1 to i32
        %sign3A_509 = arith.constant 0 : i32
        %sign3A_510 = arith.cmpi slt, %jit3A_497, %sign3A_509 : i32
        %sign3A_511 = arith.extui %sign3A_510 : i1 to i32
        %sign3A_512 = arith.subi %sign3A_508, %sign3A_511 : i32
        %ne3A_513 = arith.cmpi ne, %sign3A_505, %sign3A_512 : i32
        %rem3A_514 = arith.remsi %add3A_496, %jit3A_497 : i32
        %ne3A_515 = arith.constant 0 : i32
        %ne3A_516 = arith.cmpi ne, %rem3A_514, %ne3A_515 : i32
        %and3A_517 = arith.andi %ne3A_513, %ne3A_516 : i1
        %sub3A_518 = arith.constant 1 : i32
        %sub3A_519 = arith.subi %div3A_498, %sub3A_518 : i32
        %select_n3A_520 = arith.select %and3A_517, %sub3A_519, %div3A_498 : i32
        %mul3A_521 = arith.constant 32 : i32
        %mul3A_522 = arith.muli %select_n3A_520, %mul3A_521 : i32
        %sub3A_523 = arith.subi %add3A_496, %mul3A_522 : i32
        %dma_start3A_524 = arith.constant 0 : i32
        %dma_start3A_525 = tpu.memref_slice %arg4[%select_n3A_520, %sub3A_523, %dma_start3A_524] : memref<26x32x100000xf32, #tpu.memory_space<hbm>> -> memref<1x1x50048xf32, #tpu.memory_space<hbm>>
        %dma_start3A_526 = tpu.memref_squeeze %dma_start3A_525 : memref<1x1x50048xf32, #tpu.memory_space<hbm>> -> memref<50048xf32, #tpu.memory_space<hbm>>
        %dma_start3A_527 = arith.constant 0 : i32
        %dma_start3A_528 = tpu.memref_slice %arg4[%select_n3A_520, %sub3A_523, %dma_start3A_527] : memref<26x32x100000xf32, #tpu.memory_space<hbm>> -> memref<1x1x50048xf32, #tpu.memory_space<hbm>>
        %dma_start3A_529 = tpu.memref_squeeze %dma_start3A_528 : memref<1x1x50048xf32, #tpu.memory_space<hbm>> -> memref<50048xf32, #tpu.memory_space<hbm>>
        tpu.enqueue_dma source(%dma_start3A_529 : memref<50048xf32, #tpu.memory_space<hbm>>) target(%arg8 : memref<50048xf32, #tpu.memory_space<vmem>>) target_semaphore(%arg17 : memref<!tpu.dma_semaphore, #tpu.memory_space<semaphore_mem>>)
      } else {
      }
      %lt3A_440 = arith.constant 16 : i32
      %lt3A_441 = arith.cmpi slt, %add3A_354, %lt3A_440 : i32
      %convert_element_type3A_442 = arith.extui %lt3A_441 : i1 to i32
      %cond3A_443 = arith.constant 0 : i32
      %cond3A_444 = arith.cmpi ne, %convert_element_type3A_442, %cond3A_443 : i32
      scf.if %cond3A_444 {
        %mul3A_495 = arith.constant 16 : i32
        %mul3A_496 = arith.muli %add3A, %mul3A_495 : i32
        %add3A_497 = arith.addi %mul3A_496, %add3A_354 : i32
        %gt3A_498 = arith.constant 0 : i32
        %gt3A_499 = arith.cmpi sgt, %add3A_354, %gt3A_498 : i32
        %convert_element_type3A_500 = arith.extui %gt3A_499 : i1 to i32
        %cond3A_501 = arith.constant 0 : i32
        %cond3A_502 = arith.cmpi ne, %convert_element_type3A_500, %cond3A_501 : i32
        scf.if %cond3A_502 {
          %sub3A_574 = arith.constant 1 : i32
          %sub3A_575 = arith.subi %add3A_497, %sub3A_574 : i32
          %jit3A_576 = arith.constant 32 : i32
          %div3A_577 = arith.divsi %sub3A_575, %jit3A_576 : i32
          %sign3A_578 = arith.constant 0 : i32
          %sign3A_579 = arith.cmpi sgt, %sub3A_575, %sign3A_578 : i32
          %sign3A_580 = arith.extui %sign3A_579 : i1 to i32
          %sign3A_581 = arith.constant 0 : i32
          %sign3A_582 = arith.cmpi slt, %sub3A_575, %sign3A_581 : i32
          %sign3A_583 = arith.extui %sign3A_582 : i1 to i32
          %sign3A_584 = arith.subi %sign3A_580, %sign3A_583 : i32
          %sign3A_585 = arith.constant 0 : i32
          %sign3A_586 = arith.cmpi sgt, %jit3A_576, %sign3A_585 : i32
          %sign3A_587 = arith.extui %sign3A_586 : i1 to i32
          %sign3A_588 = arith.constant 0 : i32
          %sign3A_589 = arith.cmpi slt, %jit3A_576, %sign3A_588 : i32
          %sign3A_590 = arith.extui %sign3A_589 : i1 to i32
          %sign3A_591 = arith.subi %sign3A_587, %sign3A_590 : i32
          %ne3A_592 = arith.cmpi ne, %sign3A_584, %sign3A_591 : i32
          %rem3A_593 = arith.remsi %sub3A_575, %jit3A_576 : i32
          %ne3A_594 = arith.constant 0 : i32
          %ne3A_595 = arith.cmpi ne, %rem3A_593, %ne3A_594 : i32
          %and3A_596 = arith.andi %ne3A_592, %ne3A_595 : i1
          %sub3A_597 = arith.constant 1 : i32
          %sub3A_598 = arith.subi %div3A_577, %sub3A_597 : i32
          %select_n3A_599 = arith.select %and3A_596, %sub3A_598, %div3A_577 : i32
          %mul3A_600 = arith.constant 32 : i32
          %mul3A_601 = arith.muli %select_n3A_599, %mul3A_600 : i32
          %sub3A_602 = arith.subi %sub3A_575, %mul3A_601 : i32
          %add3A_603 = arith.constant 26 : i32
          %add3A_604 = arith.addi %add3A_603, %select_n3A_599 : i32
          %dma_wait3A_605 = arith.constant 0 : i32
          %dma_wait3A_606 = tpu.memref_slice %arg7[%add3A_604, %sub3A_602, %dma_wait3A_605] : memref<42x32x4096xf32, #tpu.memory_space<hbm>> -> memref<1x1x4096xf32, #tpu.memory_space<hbm>>
          %dma_wait3A_607 = tpu.memref_squeeze %dma_wait3A_606 : memref<1x1x4096xf32, #tpu.memory_space<hbm>> -> memref<4096xf32, #tpu.memory_space<hbm>>
          %dma_wait3A_608 = arith.constant 0 : i32
          %dma_wait3A_609 = tpu.memref_slice %arg7[%add3A_604, %sub3A_602, %dma_wait3A_608] : memref<42x32x4096xf32, #tpu.memory_space<hbm>> -> memref<1x1x4096xf32, #tpu.memory_space<hbm>>
          %dma_wait3A_610 = tpu.memref_squeeze %dma_wait3A_609 : memref<1x1x4096xf32, #tpu.memory_space<hbm>> -> memref<4096xf32, #tpu.memory_space<hbm>>
          tpu.wait_dma2 semaphore(%arg21 : memref<!tpu.dma_semaphore, #tpu.memory_space<semaphore_mem>>) src(%arg13 : memref<4096xf32, #tpu.memory_space<vmem>>) dst(%dma_wait3A_610 : memref<4096xf32, #tpu.memory_space<hbm>>)
        } else {
        }
        %jit3A_503 = arith.constant 32 : i32
        %div3A_504 = arith.divsi %add3A_497, %jit3A_503 : i32
        %sign3A_505 = arith.constant 0 : i32
        %sign3A_506 = arith.cmpi sgt, %add3A_497, %sign3A_505 : i32
        %sign3A_507 = arith.extui %sign3A_506 : i1 to i32
        %sign3A_508 = arith.constant 0 : i32
        %sign3A_509 = arith.cmpi slt, %add3A_497, %sign3A_508 : i32
        %sign3A_510 = arith.extui %sign3A_509 : i1 to i32
        %sign3A_511 = arith.subi %sign3A_507, %sign3A_510 : i32
        %sign3A_512 = arith.constant 0 : i32
        %sign3A_513 = arith.cmpi sgt, %jit3A_503, %sign3A_512 : i32
        %sign3A_514 = arith.extui %sign3A_513 : i1 to i32
        %sign3A_515 = arith.constant 0 : i32
        %sign3A_516 = arith.cmpi slt, %jit3A_503, %sign3A_515 : i32
        %sign3A_517 = arith.extui %sign3A_516 : i1 to i32
        %sign3A_518 = arith.subi %sign3A_514, %sign3A_517 : i32
        %ne3A_519 = arith.cmpi ne, %sign3A_511, %sign3A_518 : i32
        %rem3A_520 = arith.remsi %add3A_497, %jit3A_503 : i32
        %ne3A_521 = arith.constant 0 : i32
        %ne3A_522 = arith.cmpi ne, %rem3A_520, %ne3A_521 : i32
        %and3A_523 = arith.andi %ne3A_519, %ne3A_522 : i1
        %sub3A_524 = arith.constant 1 : i32
        %sub3A_525 = arith.subi %div3A_504, %sub3A_524 : i32
        %select_n3A_526 = arith.select %and3A_523, %sub3A_525, %div3A_504 : i32
        %mul3A_527 = arith.constant 32 : i32
        %mul3A_528 = arith.muli %select_n3A_526, %mul3A_527 : i32
        %sub3A_529 = arith.subi %add3A_497, %mul3A_528 : i32
        %broadcast_in_dim3A_530 = vector.broadcast %select_n3A_526 : i32 to vector<16xi32>
        %broadcast_in_dim3A_531 = vector.broadcast %sub3A_529 : i32 to vector<16xi32>
        %gather3A = tpu.vector_load_idx %arg15[%broadcast_in_dim3A_530, %broadcast_in_dim3A_531] : memref<16x32xf32, #tpu.memory_space<vmem>>[vector<16xi32>, vector<16xi32>], vector<16xf32>,
        %gather3A_532 = tpu.vector_load_idx %arg16[%broadcast_in_dim3A_530, %broadcast_in_dim3A_531] : memref<16x32xf32, #tpu.memory_space<vmem>>[vector<16xi32>, vector<16xi32>], vector<16xf32>,
        %scan3A_533 = arith.constant 0 : i32
        %scan3A_534 = arith.constant 0 : i32
        %scan3A_535 = arith.constant 256 : i32
        %scan3A_536 = arith.addi %scan3A_534, %scan3A_535 : i32
        %scan3A_537 = arith.constant 1 : i32
        scf.for %scan3A_574 = %scan3A_534 to %scan3A_536 step %scan3A_537  : i32 {
          %mul3A_575 = arith.constant 16 : i32
          %mul3A_576 = arith.muli %scan3A_574, %mul3A_575 : i32
          %get3A = arith.index_cast %mul3A_576 : i32 to index
          %get3A_577 = tpu.vector_load %arg14[%get3A] {strides = array<i32>} : memref<4096xf32, #tpu.memory_space<vmem>>, vector<16xf32>,
          %mul3A_578 = arith.mulf %get3A_577, %gather3A : vector<16xf32>
          %add3A_579 = arith.addf %mul3A_578, %gather3A_532 : vector<16xf32>
          %swap3A = arith.index_cast %mul3A_576 : i32 to index
          %swap3A_580 = tpu.vector_load %arg13[%swap3A] {strides = array<i32>} : memref<4096xf32, #tpu.memory_space<vmem>>, vector<16xf32>,
          tpu.vector_store %arg13[%swap3A], %add3A_579 {strides = array<i32>} : memref<4096xf32, #tpu.memory_space<vmem>>, vector<16xf32>,
        }
        %scan3A_538 = arith.constant 256 : i32
        %jit3A_539 = arith.constant 32 : i32
        %div3A_540 = arith.divsi %add3A_497, %jit3A_539 : i32
        %sign3A_541 = arith.constant 0 : i32
        %sign3A_542 = arith.cmpi sgt, %add3A_497, %sign3A_541 : i32
        %sign3A_543 = arith.extui %sign3A_542 : i1 to i32
        %sign3A_544 = arith.constant 0 : i32
        %sign3A_545 = arith.cmpi slt, %add3A_497, %sign3A_544 : i32
        %sign3A_546 = arith.extui %sign3A_545 : i1 to i32
        %sign3A_547 = arith.subi %sign3A_543, %sign3A_546 : i32
        %sign3A_548 = arith.constant 0 : i32
        %sign3A_549 = arith.cmpi sgt, %jit3A_539, %sign3A_548 : i32
        %sign3A_550 = arith.extui %sign3A_549 : i1 to i32
        %sign3A_551 = arith.constant 0 : i32
        %sign3A_552 = arith.cmpi slt, %jit3A_539, %sign3A_551 : i32
        %sign3A_553 = arith.extui %sign3A_552 : i1 to i32
        %sign3A_554 = arith.subi %sign3A_550, %sign3A_553 : i32
        %ne3A_555 = arith.cmpi ne, %sign3A_547, %sign3A_554 : i32
        %rem3A_556 = arith.remsi %add3A_497, %jit3A_539 : i32
        %ne3A_557 = arith.constant 0 : i32
        %ne3A_558 = arith.cmpi ne, %rem3A_556, %ne3A_557 : i32
        %and3A_559 = arith.andi %ne3A_555, %ne3A_558 : i1
        %sub3A_560 = arith.constant 1 : i32
        %sub3A_561 = arith.subi %div3A_540, %sub3A_560 : i32
        %select_n3A_562 = arith.select %and3A_559, %sub3A_561, %div3A_540 : i32
        %mul3A_563 = arith.constant 32 : i32
        %mul3A_564 = arith.muli %select_n3A_562, %mul3A_563 : i32
        %sub3A_565 = arith.subi %add3A_497, %mul3A_564 : i32
        %add3A_566 = arith.constant 26 : i32
        %add3A_567 = arith.addi %add3A_566, %select_n3A_562 : i32
        %dma_start3A_568 = arith.constant 0 : i32
        %dma_start3A_569 = tpu.memref_slice %arg7[%add3A_567, %sub3A_565, %dma_start3A_568] : memref<42x32x4096xf32, #tpu.memory_space<hbm>> -> memref<1x1x4096xf32, #tpu.memory_space<hbm>>
        %dma_start3A_570 = tpu.memref_squeeze %dma_start3A_569 : memref<1x1x4096xf32, #tpu.memory_space<hbm>> -> memref<4096xf32, #tpu.memory_space<hbm>>
        %dma_start3A_571 = arith.constant 0 : i32
        %dma_start3A_572 = tpu.memref_slice %arg7[%add3A_567, %sub3A_565, %dma_start3A_571] : memref<42x32x4096xf32, #tpu.memory_space<hbm>> -> memref<1x1x4096xf32, #tpu.memory_space<hbm>>
        %dma_start3A_573 = tpu.memref_squeeze %dma_start3A_572 : memref<1x1x4096xf32, #tpu.memory_space<hbm>> -> memref<4096xf32, #tpu.memory_space<hbm>>
        tpu.enqueue_dma source(%arg13 : memref<4096xf32, #tpu.memory_space<vmem>>) target(%dma_start3A_573 : memref<4096xf32, #tpu.memory_space<hbm>>) target_semaphore(%arg21 : memref<!tpu.dma_semaphore, #tpu.memory_space<semaphore_mem>>)
      } else {
      }
      %jit3A_445 = arith.constant 32 : i32
      %div3A_446 = arith.divsi %add3A_355, %jit3A_445 : i32
      %sign3A_447 = arith.constant 0 : i32
      %sign3A_448 = arith.cmpi sgt, %add3A_355, %sign3A_447 : i32
      %sign3A_449 = arith.extui %sign3A_448 : i1 to i32
      %sign3A_450 = arith.constant 0 : i32
      %sign3A_451 = arith.cmpi slt, %add3A_355, %sign3A_450 : i32
      %sign3A_452 = arith.extui %sign3A_451 : i1 to i32
      %sign3A_453 = arith.subi %sign3A_449, %sign3A_452 : i32
      %sign3A_454 = arith.constant 0 : i32
      %sign3A_455 = arith.cmpi sgt, %jit3A_445, %sign3A_454 : i32
      %sign3A_456 = arith.extui %sign3A_455 : i1 to i32
      %sign3A_457 = arith.constant 0 : i32
      %sign3A_458 = arith.cmpi slt, %jit3A_445, %sign3A_457 : i32
      %sign3A_459 = arith.extui %sign3A_458 : i1 to i32
      %sign3A_460 = arith.subi %sign3A_456, %sign3A_459 : i32
      %ne3A_461 = arith.cmpi ne, %sign3A_453, %sign3A_460 : i32
      %rem3A_462 = arith.remsi %add3A_355, %jit3A_445 : i32
      %ne3A_463 = arith.constant 0 : i32
      %ne3A_464 = arith.cmpi ne, %rem3A_462, %ne3A_463 : i32
      %and3A_465 = arith.andi %ne3A_461, %ne3A_464 : i1
      %sub3A_466 = arith.constant 1 : i32
      %sub3A_467 = arith.subi %div3A_446, %sub3A_466 : i32
      %select_n3A_468 = arith.select %and3A_465, %sub3A_467, %div3A_446 : i32
      %mul3A_469 = arith.constant 32 : i32
      %mul3A_470 = arith.muli %select_n3A_468, %mul3A_469 : i32
      %sub3A_471 = arith.subi %add3A_355, %mul3A_470 : i32
      %dma_wait3A_472 = arith.constant 50048 : i32
      %dma_wait3A_473 = tpu.memref_slice %arg4[%select_n3A_468, %sub3A_471, %dma_wait3A_472] : memref<26x32x100000xf32, #tpu.memory_space<hbm>> -> memref<1x1x49952xf32, #tpu.memory_space<hbm>>
      %dma_wait3A_474 = tpu.memref_squeeze %dma_wait3A_473 : memref<1x1x49952xf32, #tpu.memory_space<hbm>> -> memref<49952xf32, #tpu.memory_space<hbm>>
      %dma_wait3A_475 = arith.constant 50048 : i32
      %dma_wait3A_476 = tpu.memref_slice %arg4[%select_n3A_468, %sub3A_471, %dma_wait3A_475] : memref<26x32x100000xf32, #tpu.memory_space<hbm>> -> memref<1x1x49952xf32, #tpu.memory_space<hbm>>
      %dma_wait3A_477 = tpu.memref_squeeze %dma_wait3A_476 : memref<1x1x49952xf32, #tpu.memory_space<hbm>> -> memref<49952xf32, #tpu.memory_space<hbm>>
      tpu.wait_dma2 semaphore(%arg18 : memref<!tpu.dma_semaphore, #tpu.memory_space<semaphore_mem>>) src(%dma_wait3A_477 : memref<49952xf32, #tpu.memory_space<hbm>>) dst(%arg9 : memref<49952xf32, #tpu.memory_space<vmem>>)
      %scan3A_478 = arith.constant 0 : i32
      %scan3A_479 = arith.constant 0 : i32
      %scan3A_480 = arith.constant 256 : i32
      %scan3A_481 = arith.addi %scan3A_479, %scan3A_480 : i32
      %scan3A_482 = arith.constant 1 : i32
      scf.for %scan3A_495 = %scan3A_479 to %scan3A_481 step %scan3A_482  : i32 {
        %mul3A_496 = arith.constant 16 : i32
        %mul3A_497 = arith.muli %scan3A_495, %mul3A_496 : i32
        %get3A = arith.index_cast %mul3A_497 : i32 to index
        %get3A_498 = tpu.vector_load %arg10[%get3A] {strides = array<i32>} : memref<4096xi32, #tpu.memory_space<vmem>>, vector<16xi32>,
        %ge3A = arith.cmpi sge, %get3A_498, %broadcast_in_dim3A_426 : vector<16xi32>
        %sub3A_499 = arith.subi %get3A_498, %broadcast_in_dim3A_426 : vector<16xi32>
        %and3A_500 = arith.andi %sub3A_499, %broadcast_in_dim3A_428 : vector<16xi32>
        %gather3A = tpu.vector_load_idx %arg9[%and3A_500] masked %ge3A : memref<49952xf32, #tpu.memory_space<vmem>>[vector<16xi32>], vector<16xf32>, vector<16xi1>
        %get3A_501 = arith.index_cast %mul3A_497 : i32 to index
        %get3A_502 = tpu.vector_load %arg12[%get3A_501] {strides = array<i32>} : memref<4096xf32, #tpu.memory_space<vmem>>, vector<16xf32>,
        %select_n3A_503 = arith.select %ge3A, %gather3A, %get3A_502 : vector<16xi1>, vector<16xf32>
        %swap3A = arith.index_cast %mul3A_497 : i32 to index
        %swap3A_504 = tpu.vector_load %arg12[%swap3A] {strides = array<i32>} : memref<4096xf32, #tpu.memory_space<vmem>>, vector<16xf32>,
        tpu.vector_store %arg12[%swap3A], %select_n3A_503 {strides = array<i32>} : memref<4096xf32, #tpu.memory_space<vmem>>, vector<16xf32>,
      }
      %scan3A_483 = arith.constant 256 : i32
      %lt3A_484 = arith.constant 25 : i32
      %lt3A_485 = arith.cmpi slt, %add3A_354, %lt3A_484 : i32
      %convert_element_type3A_486 = arith.extui %lt3A_485 : i1 to i32
      %cond3A_487 = arith.constant 0 : i32
      %cond3A_488 = arith.cmpi ne, %convert_element_type3A_486, %cond3A_487 : i32
      scf.if %cond3A_488 {
        %add3A_495 = arith.constant 1 : i32
        %add3A_496 = arith.addi %add3A_355, %add3A_495 : i32
        %jit3A_497 = arith.constant 32 : i32
        %div3A_498 = arith.divsi %add3A_496, %jit3A_497 : i32
        %sign3A_499 = arith.constant 0 : i32
        %sign3A_500 = arith.cmpi sgt, %add3A_496, %sign3A_499 : i32
        %sign3A_501 = arith.extui %sign3A_500 : i1 to i32
        %sign3A_502 = arith.constant 0 : i32
        %sign3A_503 = arith.cmpi slt, %add3A_496, %sign3A_502 : i32
        %sign3A_504 = arith.extui %sign3A_503 : i1 to i32
        %sign3A_505 = arith.subi %sign3A_501, %sign3A_504 : i32
        %sign3A_506 = arith.constant 0 : i32
        %sign3A_507 = arith.cmpi sgt, %jit3A_497, %sign3A_506 : i32
        %sign3A_508 = arith.extui %sign3A_507 : i1 to i32
        %sign3A_509 = arith.constant 0 : i32
        %sign3A_510 = arith.cmpi slt, %jit3A_497, %sign3A_509 : i32
        %sign3A_511 = arith.extui %sign3A_510 : i1 to i32
        %sign3A_512 = arith.subi %sign3A_508, %sign3A_511 : i32
        %ne3A_513 = arith.cmpi ne, %sign3A_505, %sign3A_512 : i32
        %rem3A_514 = arith.remsi %add3A_496, %jit3A_497 : i32
        %ne3A_515 = arith.constant 0 : i32
        %ne3A_516 = arith.cmpi ne, %rem3A_514, %ne3A_515 : i32
        %and3A_517 = arith.andi %ne3A_513, %ne3A_516 : i1
        %sub3A_518 = arith.constant 1 : i32
        %sub3A_519 = arith.subi %div3A_498, %sub3A_518 : i32
        %select_n3A_520 = arith.select %and3A_517, %sub3A_519, %div3A_498 : i32
        %mul3A_521 = arith.constant 32 : i32
        %mul3A_522 = arith.muli %select_n3A_520, %mul3A_521 : i32
        %sub3A_523 = arith.subi %add3A_496, %mul3A_522 : i32
        %dma_start3A_524 = arith.constant 50048 : i32
        %dma_start3A_525 = tpu.memref_slice %arg4[%select_n3A_520, %sub3A_523, %dma_start3A_524] : memref<26x32x100000xf32, #tpu.memory_space<hbm>> -> memref<1x1x49952xf32, #tpu.memory_space<hbm>>
        %dma_start3A_526 = tpu.memref_squeeze %dma_start3A_525 : memref<1x1x49952xf32, #tpu.memory_space<hbm>> -> memref<49952xf32, #tpu.memory_space<hbm>>
        %dma_start3A_527 = arith.constant 50048 : i32
        %dma_start3A_528 = tpu.memref_slice %arg4[%select_n3A_520, %sub3A_523, %dma_start3A_527] : memref<26x32x100000xf32, #tpu.memory_space<hbm>> -> memref<1x1x49952xf32, #tpu.memory_space<hbm>>
        %dma_start3A_529 = tpu.memref_squeeze %dma_start3A_528 : memref<1x1x49952xf32, #tpu.memory_space<hbm>> -> memref<49952xf32, #tpu.memory_space<hbm>>
        tpu.enqueue_dma source(%dma_start3A_529 : memref<49952xf32, #tpu.memory_space<hbm>>) target(%arg9 : memref<49952xf32, #tpu.memory_space<vmem>>) target_semaphore(%arg18 : memref<!tpu.dma_semaphore, #tpu.memory_space<semaphore_mem>>)
      } else {
      }
      %dma_start3A_489 = arith.constant 0 : i32
      %dma_start3A_490 = tpu.memref_slice %arg7[%select_n3A_379, %sub3A_382, %dma_start3A_489] : memref<42x32x4096xf32, #tpu.memory_space<hbm>> -> memref<1x1x4096xf32, #tpu.memory_space<hbm>>
      %dma_start3A_491 = tpu.memref_squeeze %dma_start3A_490 : memref<1x1x4096xf32, #tpu.memory_space<hbm>> -> memref<4096xf32, #tpu.memory_space<hbm>>
      %dma_start3A_492 = arith.constant 0 : i32
      %dma_start3A_493 = tpu.memref_slice %arg7[%select_n3A_379, %sub3A_382, %dma_start3A_492] : memref<42x32x4096xf32, #tpu.memory_space<hbm>> -> memref<1x1x4096xf32, #tpu.memory_space<hbm>>
      %dma_start3A_494 = tpu.memref_squeeze %dma_start3A_493 : memref<1x1x4096xf32, #tpu.memory_space<hbm>> -> memref<4096xf32, #tpu.memory_space<hbm>>
      tpu.enqueue_dma source(%arg12 : memref<4096xf32, #tpu.memory_space<vmem>>) target(%dma_start3A_494 : memref<4096xf32, #tpu.memory_space<hbm>>) target_semaphore(%arg20 : memref<!tpu.dma_semaphore, #tpu.memory_space<semaphore_mem>>)
      scf.yield %select_n3A_379 : i32
    }
    %scan3A_91 = arith.constant 13 : i32
    %add3A_92 = arith.constant 26 : i32
    %add3A_93 = arith.addi %mul3A_2, %add3A_92 : i32
    %sub3A_94 = arith.constant 2 : i32
    %sub3A_95 = arith.subi %add3A_93, %sub3A_94 : i32
    %add3A_96 = arith.constant 0 : i32
    %add3A_97 = arith.addi %sub3A_95, %add3A_96 : i32
    %jit3A_98 = arith.constant 32 : i32
    %div3A_99 = arith.divsi %add3A_97, %jit3A_98 : i32
    %sign3A_100 = arith.constant 0 : i32
    %sign3A_101 = arith.cmpi sgt, %add3A_97, %sign3A_100 : i32
    %sign3A_102 = arith.extui %sign3A_101 : i1 to i32
    %sign3A_103 = arith.constant 0 : i32
    %sign3A_104 = arith.cmpi slt, %add3A_97, %sign3A_103 : i32
    %sign3A_105 = arith.extui %sign3A_104 : i1 to i32
    %sign3A_106 = arith.subi %sign3A_102, %sign3A_105 : i32
    %sign3A_107 = arith.constant 0 : i32
    %sign3A_108 = arith.cmpi sgt, %jit3A_98, %sign3A_107 : i32
    %sign3A_109 = arith.extui %sign3A_108 : i1 to i32
    %sign3A_110 = arith.constant 0 : i32
    %sign3A_111 = arith.cmpi slt, %jit3A_98, %sign3A_110 : i32
    %sign3A_112 = arith.extui %sign3A_111 : i1 to i32
    %sign3A_113 = arith.subi %sign3A_109, %sign3A_112 : i32
    %ne3A_114 = arith.cmpi ne, %sign3A_106, %sign3A_113 : i32
    %rem3A_115 = arith.remsi %add3A_97, %jit3A_98 : i32
    %ne3A_116 = arith.constant 0 : i32
    %ne3A_117 = arith.cmpi ne, %rem3A_115, %ne3A_116 : i32
    %and3A_118 = arith.andi %ne3A_114, %ne3A_117 : i1
    %sub3A_119 = arith.constant 1 : i32
    %sub3A_120 = arith.subi %div3A_99, %sub3A_119 : i32
    %select_n3A_121 = arith.select %and3A_118, %sub3A_120, %div3A_99 : i32
    %mul3A_122 = arith.constant 32 : i32
    %mul3A_123 = arith.muli %select_n3A_121, %mul3A_122 : i32
    %sub3A_124 = arith.subi %add3A_97, %mul3A_123 : i32
    %dma_wait3A = arith.constant 0 : i32
    %dma_wait3A_125 = tpu.memref_slice %arg7[%select_n3A_121, %sub3A_124, %dma_wait3A] : memref<42x32x4096xf32, #tpu.memory_space<hbm>> -> memref<1x1x4096xf32, #tpu.memory_space<hbm>>
    %dma_wait3A_126 = tpu.memref_squeeze %dma_wait3A_125 : memref<1x1x4096xf32, #tpu.memory_space<hbm>> -> memref<4096xf32, #tpu.memory_space<hbm>>
    %dma_wait3A_127 = arith.constant 0 : i32
    %dma_wait3A_128 = tpu.memref_slice %arg7[%select_n3A_121, %sub3A_124, %dma_wait3A_127] : memref<42x32x4096xf32, #tpu.memory_space<hbm>> -> memref<1x1x4096xf32, #tpu.memory_space<hbm>>
    %dma_wait3A_129 = tpu.memref_squeeze %dma_wait3A_128 : memref<1x1x4096xf32, #tpu.memory_space<hbm>> -> memref<4096xf32, #tpu.memory_space<hbm>>
    tpu.wait_dma2 semaphore(%arg19 : memref<!tpu.dma_semaphore, #tpu.memory_space<semaphore_mem>>) src(%arg11 : memref<4096xf32, #tpu.memory_space<vmem>>) dst(%dma_wait3A_129 : memref<4096xf32, #tpu.memory_space<hbm>>)
    %add3A_130 = arith.constant 26 : i32
    %add3A_131 = arith.addi %mul3A_2, %add3A_130 : i32
    %sub3A_132 = arith.constant 2 : i32
    %sub3A_133 = arith.subi %add3A_131, %sub3A_132 : i32
    %add3A_134 = arith.constant 1 : i32
    %add3A_135 = arith.addi %sub3A_133, %add3A_134 : i32
    %jit3A_136 = arith.constant 32 : i32
    %div3A_137 = arith.divsi %add3A_135, %jit3A_136 : i32
    %sign3A_138 = arith.constant 0 : i32
    %sign3A_139 = arith.cmpi sgt, %add3A_135, %sign3A_138 : i32
    %sign3A_140 = arith.extui %sign3A_139 : i1 to i32
    %sign3A_141 = arith.constant 0 : i32
    %sign3A_142 = arith.cmpi slt, %add3A_135, %sign3A_141 : i32
    %sign3A_143 = arith.extui %sign3A_142 : i1 to i32
    %sign3A_144 = arith.subi %sign3A_140, %sign3A_143 : i32
    %sign3A_145 = arith.constant 0 : i32
    %sign3A_146 = arith.cmpi sgt, %jit3A_136, %sign3A_145 : i32
    %sign3A_147 = arith.extui %sign3A_146 : i1 to i32
    %sign3A_148 = arith.constant 0 : i32
    %sign3A_149 = arith.cmpi slt, %jit3A_136, %sign3A_148 : i32
    %sign3A_150 = arith.extui %sign3A_149 : i1 to i32
    %sign3A_151 = arith.subi %sign3A_147, %sign3A_150 : i32
    %ne3A_152 = arith.cmpi ne, %sign3A_144, %sign3A_151 : i32
    %rem3A_153 = arith.remsi %add3A_135, %jit3A_136 : i32
    %ne3A_154 = arith.constant 0 : i32
    %ne3A_155 = arith.cmpi ne, %rem3A_153, %ne3A_154 : i32
    %and3A_156 = arith.andi %ne3A_152, %ne3A_155 : i1
    %sub3A_157 = arith.constant 1 : i32
    %sub3A_158 = arith.subi %div3A_137, %sub3A_157 : i32
    %select_n3A_159 = arith.select %and3A_156, %sub3A_158, %div3A_137 : i32
    %mul3A_160 = arith.constant 32 : i32
    %mul3A_161 = arith.muli %select_n3A_159, %mul3A_160 : i32
    %sub3A_162 = arith.subi %add3A_135, %mul3A_161 : i32
    %dma_wait3A_163 = arith.constant 0 : i32
    %dma_wait3A_164 = tpu.memref_slice %arg7[%select_n3A_159, %sub3A_162, %dma_wait3A_163] : memref<42x32x4096xf32, #tpu.memory_space<hbm>> -> memref<1x1x4096xf32, #tpu.memory_space<hbm>>
    %dma_wait3A_165 = tpu.memref_squeeze %dma_wait3A_164 : memref<1x1x4096xf32, #tpu.memory_space<hbm>> -> memref<4096xf32, #tpu.memory_space<hbm>>
    %dma_wait3A_166 = arith.constant 0 : i32
    %dma_wait3A_167 = tpu.memref_slice %arg7[%select_n3A_159, %sub3A_162, %dma_wait3A_166] : memref<42x32x4096xf32, #tpu.memory_space<hbm>> -> memref<1x1x4096xf32, #tpu.memory_space<hbm>>
    %dma_wait3A_168 = tpu.memref_squeeze %dma_wait3A_167 : memref<1x1x4096xf32, #tpu.memory_space<hbm>> -> memref<4096xf32, #tpu.memory_space<hbm>>
    tpu.wait_dma2 semaphore(%arg20 : memref<!tpu.dma_semaphore, #tpu.memory_space<semaphore_mem>>) src(%arg12 : memref<4096xf32, #tpu.memory_space<vmem>>) dst(%dma_wait3A_168 : memref<4096xf32, #tpu.memory_space<hbm>>)
    %mul3A_169 = arith.constant 16 : i32
    %mul3A_170 = arith.muli %add3A, %mul3A_169 : i32
    %add3A_171 = arith.constant 16 : i32
    %add3A_172 = arith.addi %mul3A_170, %add3A_171 : i32
    %sub3A_173 = arith.constant 1 : i32
    %sub3A_174 = arith.subi %add3A_172, %sub3A_173 : i32
    %jit3A_175 = arith.constant 32 : i32
    %div3A_176 = arith.divsi %sub3A_174, %jit3A_175 : i32
    %sign3A_177 = arith.constant 0 : i32
    %sign3A_178 = arith.cmpi sgt, %sub3A_174, %sign3A_177 : i32
    %sign3A_179 = arith.extui %sign3A_178 : i1 to i32
    %sign3A_180 = arith.constant 0 : i32
    %sign3A_181 = arith.cmpi slt, %sub3A_174, %sign3A_180 : i32
    %sign3A_182 = arith.extui %sign3A_181 : i1 to i32
    %sign3A_183 = arith.subi %sign3A_179, %sign3A_182 : i32
    %sign3A_184 = arith.constant 0 : i32
    %sign3A_185 = arith.cmpi sgt, %jit3A_175, %sign3A_184 : i32
    %sign3A_186 = arith.extui %sign3A_185 : i1 to i32
    %sign3A_187 = arith.constant 0 : i32
    %sign3A_188 = arith.cmpi slt, %jit3A_175, %sign3A_187 : i32
    %sign3A_189 = arith.extui %sign3A_188 : i1 to i32
    %sign3A_190 = arith.subi %sign3A_186, %sign3A_189 : i32
    %ne3A_191 = arith.cmpi ne, %sign3A_183, %sign3A_190 : i32
    %rem3A_192 = arith.remsi %sub3A_174, %jit3A_175 : i32
    %ne3A_193 = arith.constant 0 : i32
    %ne3A_194 = arith.cmpi ne, %rem3A_192, %ne3A_193 : i32
    %and3A_195 = arith.andi %ne3A_191, %ne3A_194 : i1
    %sub3A_196 = arith.constant 1 : i32
    %sub3A_197 = arith.subi %div3A_176, %sub3A_196 : i32
    %select_n3A_198 = arith.select %and3A_195, %sub3A_197, %div3A_176 : i32
    %mul3A_199 = arith.constant 32 : i32
    %mul3A_200 = arith.muli %select_n3A_198, %mul3A_199 : i32
    %sub3A_201 = arith.subi %sub3A_174, %mul3A_200 : i32
    %add3A_202 = arith.constant 26 : i32
    %add3A_203 = arith.addi %add3A_202, %select_n3A_198 : i32
    %dma_wait3A_204 = arith.constant 0 : i32
    %dma_wait3A_205 = tpu.memref_slice %arg7[%add3A_203, %sub3A_201, %dma_wait3A_204] : memref<42x32x4096xf32, #tpu.memory_space<hbm>> -> memref<1x1x4096xf32, #tpu.memory_space<hbm>>
    %dma_wait3A_206 = tpu.memref_squeeze %dma_wait3A_205 : memref<1x1x4096xf32, #tpu.memory_space<hbm>> -> memref<4096xf32, #tpu.memory_space<hbm>>
    %dma_wait3A_207 = arith.constant 0 : i32
    %dma_wait3A_208 = tpu.memref_slice %arg7[%add3A_203, %sub3A_201, %dma_wait3A_207] : memref<42x32x4096xf32, #tpu.memory_space<hbm>> -> memref<1x1x4096xf32, #tpu.memory_space<hbm>>
    %dma_wait3A_209 = tpu.memref_squeeze %dma_wait3A_208 : memref<1x1x4096xf32, #tpu.memory_space<hbm>> -> memref<4096xf32, #tpu.memory_space<hbm>>
    tpu.wait_dma2 semaphore(%arg21 : memref<!tpu.dma_semaphore, #tpu.memory_space<semaphore_mem>>) src(%arg13 : memref<4096xf32, #tpu.memory_space<vmem>>) dst(%dma_wait3A_209 : memref<4096xf32, #tpu.memory_space<hbm>>)
    return
  }
}

</mosaic_0001>

<sc_bundles>
// kernel: kernel.3.cloned.1.call-start
scs
__scs_entry_jumppad:
0x0: {  	(pc) =	sbr.rel $0x88, $3  }
0x1: {  	(tag) =	ssettag $0x0;
	lr =	simm.s32 $0x1  }
0x2: {  	[smem:$0x3F9C] =	sst lr;
	_ =	strace $0xD0000000  }
0x3: {  	_ = 	snop  }
0x4: {  	_ = 	snop  }
0x5: {  	_ = 	snop  }
0x6: {  	_ = 	snop  }
0x7: {  	_ = 	snop  }
__scs_overlays_trampoline_lowered:
0x8: {  	[smem:$0x3FAB] =	sst s0  }
0x9: {  	[smem:$0x3FAC] =	sst s1  }
0xa: {  	[smem:$0x3FAD] =	sst s2  }
0xb: {  	[smem:$0x3FAE] =	sst s3  }
0xc: {  	[smem:$0x3FAF] =	sst s4  }
0xd: {  	[smem:$0x3FB0] =	sst s5  }
0xe: {  	[smem:$0x3FB1] =	sst s6  }
0xf: {  	[smem:$0x3FB2] =	sst s7  }
0x10: {  	[smem:$0x3FB3] =	sst s8  }
0x11: {  	[smem:$0x3FB4] =	sst s9;
	s0 =	simm.s32 @!p0 $0x0  }
0x12: {  	s1 =	sld [smem:$0x3F9A];
	s0 =	simm.s32 @p0 $0x1  }
0x13: {  	[smem:$0x3FB5] =	sst s0;
	s0 =	simm.s32 @!p1 $0x0  }
0x14: {  	s2 =	sld [smem:$0x3F99];
	s0 =	simm.s32 @p1 $0x1  }
0x15: {  	[smem:$0x3FB6] =	sst s0;
	s0 =	simm.s32 @!p2 $0x0  }
0x16: {  	s3 =	sld [smem:$0x3FDB];
	s0 =	simm.s32 @p2 $0x1  }
0x17: {  	s4 =	simm.s32 $0x1BF5;
	[smem:$0x3FB8] =	sst s0  }
0x18: {  	s0 =	sld [smem:$0x3F9B];
	_ =	swait.ge [sflag:s4], $0x0  }
0x19: {  	s7 =	sld [smem:$0x3F9C]  }
0x1a: {  	s8 =	sadd.s32 $0xFFFFE003, lr  }
0x1b: {  	s9 =	sadd.s32 $0xFFFFFEF7, lr;
	s5 =	simm.s32 $0xFFFFFFFF;
	p2 =	slt.u32 s8, $0xFFFFF086  }
0x1c: {  	p1 =	slt.u32 s9, $0xF7A;
	s5 =	simm.s32 @!p2 $0x0  }
0x1d: {  	s5 =	simm.s32 @p1 $0x1;
	p0 =	seq.s32 s7, s2  }
0x1e: {  	s7 =	smul.u32 @!p0 $0xF7A, s2;
	p2 =	seq.s32 @!p0 s5, $0x0  }
0x1f: {  	s9 =	smul.u32 $0xF7A, s1;
	s8 =	simm.s32 @!p0 $0x1BF5;
	p2 =	por !p2, p0  }
0x20: {  	[sflag:s8] =	ssyncset.s32 @!p0 $0xFFFFF086;
	s6 =	sadd.s32 @!p0 s3, s7;
	s7 =	simm.s32 @!p0 $0x108  }
0x21: {  	s3 =	sadd.s32 s3, s9;
	s6 =	sadd.s32 @!p0 $0x88, s6;
	s7 =	simm.s32 @p2 $0x1082  }
0x22: {  	[simem:s7], [sflag:s8] =	dma.local @!p0 [hbm:s6], $0xF7A  }
0x23: {  	s9 =	sor.u32 $0xD0000000, s2;
	s6 =	simm.s32 $0x108;
	_ =	swait.ge @!p0 [sflag:s8], $0x0  }
0x24: {  	s3 =	sadd.s32 $0x88, s3;
	s6 =	simm.s32 @!p1 $0x1082;
	[sflag:s4] =	ssyncset.s32 $0xFFFFF086  }
0x25: {  	[simem:s6], [sflag:s4] =	dma.local [hbm:s3], $0xF7A  }
0x26: {  	[smem:$0x3F9C] =	sst s1;
	(tag) =	ssettag s2;
	_ =	strace s9  }
0x27: {  	s1 =	sld [smem:$0x3FAC]  }
0x28: {  	s2 =	sld [smem:$0x3FAD]  }
0x29: {  	s4 =	sld [smem:$0x3FAF]  }
0x2a: {  	p0 =	seq.s32 s5, $0x0;
	s5 =	sld [smem:$0x3FB0]  }
0x2b: {  	s6 =	sld [smem:$0x3FB1]  }
0x2c: {  	s7 =	sld [smem:$0x3FB2]  }
0x2d: {  	s3 =	simm.s32 $0x108;
	s8 =	sld [smem:$0x3FB3]  }
0x2e: {  	s3 =	simm.s32 @!p0 $0x1082;
	s9 =	sld [smem:$0x3FB4]  }
0x2f: {  	lr =	sadd.s32 s0, s3;
	s0 =	sld [smem:$0x3FAB]  }
0x30: {  	s3 =	sld [smem:$0x3FAE]  }
0x31: {  	[smem:$0x3FB7] =	sst s10  }
0x32: {  	s10 =	sld [smem:$0x3FB5];
	_ =	sdelay $0x3  }
0x33: {  	p0 =	seq.s32 s10, $0x1;
	s10 =	sld [smem:$0x3FB7];
	_ =	sdelay $0x3  }
0x34: {  	[smem:$0x3FB7] =	sst s10  }
0x35: {  	s10 =	sld [smem:$0x3FB6];
	_ =	sdelay $0x3  }
0x36: {  	p1 =	seq.s32 s10, $0x1;
	s10 =	sld [smem:$0x3FB7];
	_ =	sdelay $0x3  }
0x37: {  	[smem:$0x3FB7] =	sst s10  }
0x38: {  	s10 =	sld [smem:$0x3FB8]  }
0x39: {  	_ = 	snop;
	(pc) =	sbr.ind lr, $3  }
0x3a: {  	_ = 	snop  }
0x3b: {  	_ = 	snop  }
0x3c: {  	p2 =	seq.s32 s10, $0x1;
	s10 =	sld [smem:$0x3FB7]  }
0x3d: {  	_ =	shalt  }
0x3e: {  	_ =	shalt  }
0x3f: {  	_ =	shalt  }
0x40: {  	_ =	shalt  }
0x41: {  	_ =	shalt  }
0x42: {  	_ =	shalt  }
0x43: {  	_ =	shalt  }
0x44: {  	_ =	shalt  }
0x45: {  	_ =	shalt  }
0x46: {  	_ =	shalt  }
0x47: {  	_ =	shalt  }
0x48: {  	_ =	shalt  }
0x49: {  	_ =	shalt  }
0x4a: {  	_ =	shalt  }
0x4b: {  	_ =	shalt  }
0x4c: {  	_ =	shalt  }
0x4d: {  	_ =	shalt  }
0x4e: {  	_ =	shalt  }
0x4f: {  	_ =	shalt  }
0x50: {  	_ =	shalt  }
0x51: {  	_ =	shalt  }
0x52: {  	_ =	shalt  }
0x53: {  	_ =	shalt  }
0x54: {  	_ =	shalt  }
0x55: {  	_ =	shalt  }
0x56: {  	_ =	shalt  }
0x57: {  	_ =	shalt  }
0x58: {  	_ =	shalt  }
0x59: {  	_ =	shalt  }
0x5a: {  	_ =	shalt  }
0x5b: {  	_ =	shalt  }
0x5c: {  	_ =	shalt  }
0x5d: {  	_ =	shalt  }
0x5e: {  	_ =	shalt  }
0x5f: {  	_ =	shalt  }
0x60: {  	_ =	shalt  }
0x61: {  	_ =	shalt  }
0x62: {  	_ =	shalt  }
0x63: {  	_ =	shalt  }
0x64: {  	_ =	shalt  }
0x65: {  	_ =	shalt  }
0x66: {  	_ =	shalt  }
0x67: {  	_ =	shalt  }
0x68: {  	_ =	shalt  }
0x69: {  	_ =	shalt  }
0x6a: {  	_ =	shalt  }
0x6b: {  	_ =	shalt  }
0x6c: {  	_ =	shalt  }
0x6d: {  	_ =	shalt  }
0x6e: {  	_ =	shalt  }
0x6f: {  	_ =	shalt  }
0x70: {  	_ =	shalt  }
0x71: {  	_ =	shalt  }
0x72: {  	_ =	shalt  }
0x73: {  	_ =	shalt  }
0x74: {  	_ =	shalt  }
0x75: {  	_ =	shalt  }
0x76: {  	_ =	shalt  }
0x77: {  	_ =	shalt  }
0x78: {  	_ =	shalt  }
0x79: {  	_ =	shalt  }
0x7a: {  	_ =	shalt  }
0x7b: {  	_ =	shalt  }
0x7c: {  	_ =	shalt  }
0x7d: {  	_ =	shalt  }
0x7e: {  	_ =	shalt  }
0x7f: {  	_ =	shalt  }
0x80: {  	_ =	shalt  }
0x81: {  	_ =	shalt  }
0x82: {  	_ =	shalt  }
0x83: {  	_ =	shalt  }
0x84: {  	_ =	shalt  }
0x85: {  	_ =	shalt  }
0x86: {  	_ =	shalt  }
0x87: {  	_ =	shalt  }
.Lfunc_end0:
.L_simem_size_0:
called_computation_lowered:
.L_overlay_start_0:
0x88: {  	s2 =	sld [smem:$0x3FD9]  }
0x89: {  	s3 =	sld [smem:$0x3FFE];
	_ =	sdelay $0x1  }
0x8a: {  	s1 =	srdreg.scid  }
0x8b: {  	s0 =	sand.u32 $0x1, s1  }
0x8c: {  	s18 =	sshll.u32 s0, $0xA;
	s2 =	sadd.s32 s3, s2  }
0x8d: {  	s2 =	sadd.s32 s2, s18  }
0x8e: {  	[smem:$0x3FC3] =	sst s2  }
0x8f: {  	_ = 	snop  }
0x90: {  	s2 =	sld [smem:$0x3FC9]  }
0x91: {  	s19 =	sld [smem:$0x3FC8]  }
0x92: {  	s4 =	sld [smem:$0x3FC7]  }
0x93: {  	s5 =	sld [smem:$0x3FC6]  }
0x94: {  	s6 =	sld [smem:$0x3FC5]  }
0x95: {  	s7 =	sld [smem:$0x3FD0];
	(tm) =	ssettm $0x1  }
0x96: {  	s8 =	sld [smem:$0x3FFB];
	_ =	sdelay $0x3  }
0x97: {  	_ =	strace s8  }
0x98: {  	s8 =	sld [smem:$0x3FFC];
	_ =	sdelay $0x3  }
0x99: {  	_ =	strace s8  }
0x9a: {  	s8 =	sld [smem:$0x3FFD];
	_ =	sdelay $0x3  }
0x9b: {  	_ =	strace s8  }
0x9c: {  	_ =	strace $0x8FFFFFFF  }
0x9d: {  	s20 =	sld [smem:$0x3FDB];
	_ =	sdelay $0x1  }
0x9e: {  	s9 =	simm.s32 $_scs_section_size  }
0x9f: {  	s10 =	simm.s32 $_size__tile_overlayer_lowered;
	s11 =	simm.s32 $_tile_overlayer_lowered  }
0xa0: {  	s23 =	simm.s32 $0x1BFF;
	s22 =	sshll.u32 s11, $0x1;
	s8 =	sadd.s32 s9, s20  }
0xa1: {  	s12 =	simm.s32 $0x0;
	s21 =	sshll.u32 s10, $0x1;
	s10 =	sadd.s32 s22, s8  }
0xa2: {  	[timem:s12], [sflag:s23] =	dma.local [hbm:s10], s21  }
0xa3: {  	_ =	swait.ge [sflag:s23], s21  }
0xa4: {  	s9 =	ssub.s32 $0x0, s21;
	[sflag:s23] =	ssyncset.done $0x0  }
0xa5: {  	[sflag:s23] =	ssyncadd.s32 s9;
	_ =	sdelay $0x1  }
0xa6: {  	s24 =	simm.s32 $0x1B8B  }
0xa7: {  	_ =	swait.ge [sflag:s24], $0x1  }
0xa8: {  	[sflag:s24] =	ssyncset.done $0x0  }
0xa9: {  	s25 =	simm.s32 $0x1B8E;
	[sflag:s24] =	ssyncadd.s32 $0xFFFFFFFF  }
0xaa: {  	s26 =	simm.s32 $execute0_lowered;
	[smem:$0x3FD2] =	sst s25  }
0xab: {  	s9 =	sshll.u32 s26, $0x1;
	_ =	strace $0x80000046;
	[dreg:$0x1] =	wrdreg $0xFFFFFFFF  }
0xac: {  	s28 =	simm.s32 $_size_execute0_lowered;
	s8 =	sadd.s32 s8, s9;
	[dreg:$0x0] =	wrdreg $0x0  }
0xad: {  	s9 =	sshll.u32 s28, $0x1;
	[dreg:$0x2] =	wrdreg s8  }
0xae: {  	[dreg:$0x3] =	wrdreg s9  }
0xaf: {  	[dreg:$0x4] =	wrdreg $0xC0  }
0xb0: {  	_ =	task [dreg:s12], $0x5FFFF  }
0xb1: {  	[dreg:$0x1] =	wrdreg $0xFFFFFFFF  }
0xb2: {  	[dreg:$0x0] =	wrdreg $0x60  }
0xb3: {  	[dreg:$0x2] =	wrdreg s2  }
0xb4: {  	[dreg:$0x3] =	wrdreg s19  }
0xb5: {  	[dreg:$0x4] =	wrdreg s4  }
0xb6: {  	[dreg:$0x5] =	wrdreg s5  }
0xb7: {  	[dreg:$0x6] =	wrdreg s6  }
0xb8: {  	[dreg:$0x7] =	wrdreg s7  }
0xb9: {  	[dreg:$0x8] =	wrdreg $0x9  }
0xba: {  	_ =	task.clear_ibuf [dreg:s12], $0x9FFFF;
	_ =	strace $0x90000046  }
0xbb: {  	s29 =	simm.s32 $0x9;
	_ =	strace $0x80000048  }
0xbc: {  	_ =	swait.ge [sflag:s29], $0x1  }
0xbd: {  	[sflag:s29] =	ssyncadd.s32 $0xFFFFFFFF  }
0xbe: {  	_ =	strace $0x90000048  }
0xbf: {  	_ =	sfence  }
0xc0: {  	s30 =	sld [smem:$0x0];
	_ =	sdelay $0x2  }
0xc1: {  	s31 =	sshll.u32 s1, $0xD;
	s1 =	sshrl.u32 s1, $0x2  }
0xc2: {  	s3 =	sand.u32 $0x4000, s31;
	s1 =	sadd.s32 s1, s30  }
0xc3: {  	s0 =	sor.u32 s3, s0;
	s1 =	sshll.u32 s1, $0x11  }
0xc4: {  	s0 =	sor.u32 s1, s0  }
0xc5: {  	s0 =	sadd.s32 $0x8F2B, s0  }
0xc6: {  	[sflag:s0] =	ssyncadd.remote.s32 $0x1  }
0xc7: {  	_ =	sfence.sel $0xFFFF  }
0xc8: {  	[dreg:$0x0] =	wrdreg $0xFFFFFFFF;
	(pc) =	sbr.abs _section_cstart, $3  }
0xc9: {  	[dreg:$0x1] =	wrdreg $0xFFFFFFFF  }
0xca: {  	_ =	task.clear_ibuf [dreg:s12], $0x2FFFF;
	_ =	strace $0x9FFFFFFF  }
0xcb: {  	(tm) =	ssettm $0x7FFFFFFF  }
tec
execute0_lowered:
.L_overlay_start_1:
0x0: {  	(tag) =	ssettag $0x1  }
0x1: {  	s1 =	rddreg [dreg:$0x0]  }
0x2: {  	s0 =	rddreg [dreg:$0x1]  }
0x3: {  	s2 =	rddreg [dreg:$0x2];
	s3 =	srdreg.scid  }
0x4: {  	s13 =	stileid.u32;
	s6 =	rddreg [dreg:$0x5]  }
0x5: {  	s8 =	simm.s32 $0x0;
	s12 =	simm.s32 $0x1;
	s17 =	simm.s32 $0x80  }
0x6: {  	s18 =	simm.s32 $0x400;
	s19 =	simm.s32 $0xC380;
	s28 =	simm.s32 $0x5  }
0x7: {  	s29 =	simm.s32 $0x1A700;
	s3 =	sand.u32 $0x1, s3;
	s4 =	sshll.u32 s13, $0x1  }
0x8: {  	[smem:$0x7FF] =	sst s8;
	s14 =	sshll.u32 s13, $0x5;
	s26 =	sshll.u32 s13, $0x11  }
0x9: {  	s30 =	sshll.u32 s13, $0x7;
	s4 =	sor.u32 s3, s4;
	_ =	strace $0x80000047  }
0xa: {  	s10 =	ssub.s32 $0x2, s3;
	p1 =	seq.s32 s3, $0x1;
	s7 =	smul.u32 $0x1A, s4  }
0xb: {  	s15 =	sadd.s32 $0x340000, s26;
	s26 =	simm.s32 $0x19700;
	p0 =	seq.s32 s4, $0x0  }
0xc: {  	s21 =	sshll.u32 s4, $0x8;
	s5 =	sshrl.u32 s7, $0x5;
	s9 =	sshrl.u32 s7, $0x3  }
0xd: {  	s11 =	sshrl.u32 s10, $0x1;
	s5 =	smul.u32 $0x30E000, s5;
	s9 =	sand.u32 $0x3, s9  }
0xe: {  	p0 =	por !p0, !p1;
	s22 =	ssub.s32 s10, s11;
	s9 =	smul.u32 $0xC3800, s9  }
0xf: {  	p0 =	por !p0, !p0;
	s31 =	smax.u32 s22, $0x1;
	s22 =	simm.s32 $0x1DF00  }
0x10: {  	s20 =	sadd.s32 s5, s9;
	s5 =	sand.u32 $0x300, s21;
	s9 =	simm.s32 $0x1  }
0x11: {  	[dreg:$0xa] =	wrdreg s31;
	s3 =	sor.u32 s5, s20;
	s9 =	simm.s32 @!p0 $0x0  }
0x12: {  	s23 =	sshrl.u32 s3, $0x3;
	s9 =	ssub.s32 s13, s9;
	s3 =	sadd.s32 $0x61C00, s3  }
0x13: {  	s24 =	sshll.u32 s9, $0xC;
	s9 =	sshll.u32 s9, $0x7;
	s3 =	sshrl.u32 s3, $0x3  }
0x14: {  	s10 =	sadd.s32 s2, s23;
	s11 =	sand.u32 $0xFFFF8000, s24;
	s9 =	sand.u32 $0x380, s9  }
0x15: {  	[dreg:$0x7] =	wrdreg s10;
	s3 =	sadd.s32 s2, s3;
	s25 =	sor.u32 s9, s11  }
0x16: {  	s20 =	simm.s32 $0x1D700;
	[dreg:$0x8] =	wrdreg s3;
	s3 =	sshrl.u32 s25, $0x3  }
0x17: {  	s24 =	simm.s32 $0x1B700;
	s11 =	sshll.u32 s4, $0x4;
	s0 =	sadd.s32 s0, s3  }
0x18: {  	v0 =	vmov s30;
	s4 =	simm.s32 $0x0;
	s25 =	simm.s32 $0x2;
	[dreg:$0x9] =	wrdreg s0  }
.LBB2_1:
0x19: {  	s0 =	rddreg [dreg:$0x7]  }
0x1a: {  	[tilespmem:s8], [sflag:$0x1] =	stream.strided.gather [hbm4b:s0+s17], $0xC380, s18, s17, $0x38;
	[tilespmem:$0x1E700] =	vst v63  }
0x1b: {  	s21 =	rddreg [dreg:$0x8]  }
0x1c: {  	[tilespmem:s19], [sflag:$0x2] =	stream.strided.gather [hbm4b:s21+s17], $0xC380, s18, s17, $0x38;
	[tilespmem:$0x1E700] =	vst v63  }
0x1d: {  	s23 =	rddreg [dreg:$0x3];
	s3 =	simm.s32 $0x6  }
0x1e: {  	[tilespmem:s20], [sflag:$0x6] =	stream.linear.gather [hbm4b:s23+s8], $0x800, $0x38;
	[tilespmem:$0x1E700] =	vst v63  }
0x1f: {  	_ =	swait.ge [sflag:s3], $0x800  }
0x20: {  	[sflag:s3] =	ssyncset.done $0x0  }
0x21: {  	[sflag:s3] =	ssyncadd.s32 $0xFFFFF800  }
0x22: {  	s30 =	rddreg [dreg:$0x4]  }
0x23: {  	[tilespmem:s22], [sflag:$0x6] =	stream.linear.gather [hbm4b:s30+s8], $0x800, $0x38;
	[tilespmem:$0x1E700] =	vst v63  }
0x24: {  	_ =	swait.ge [sflag:s3], $0x800  }
0x25: {  	[sflag:s3] =	ssyncset.done $0x0  }
0x26: {  	s5 =	simm.s32 $0x1C700;
	s31 =	rddreg [dreg:$0x9];
	[sflag:s3] =	ssyncadd.s32 $0xFFFFF800  }
0x27: {  	[tilespmem:s5], [sflag:$0x6] =	stream.strided.gather [hbm4b:s31+s17], $0x1000, s18, s17, $0x38;
	[tilespmem:$0x1E700] =	vst v63  }
0x28: {  	_ =	swait.ge [sflag:s3], $0x1000  }
0x29: {  	[sflag:s3] =	ssyncset.done $0x0  }
0x2a: {  	s0 =	simm.s32 $0x0;
	[sflag:s3] =	ssyncadd.s32 $0xFFFFF000;
	s3 =	simm.s32 $0xFFFFFFFF  }
.LBB2_2:
0x2b: {  	s23 =	sshll.u32 s0, $0x1  }
0x2c: {  	s9 =	sadd.s32 s7, s23  }
0x2d: {  	s5 =	sshrl.u32 s9, $0x5  }
0x2e: {  	p1 =	seq.s32 s5, s3  }
0x2f: {  	s3 =	sshll.u32 @!p1 s5, $0x4  }
0x30: {  	s10 =	sshll.u32 @!p1 s5, $0x9;
	s3 =	sand.u32 @!p1 $0x70, s3  }
0x31: {  	s13 =	simm.s32 @!p1 $0x400;
	s10 =	sand.u32 @!p1 $0xFFFF000, s10;
	s3 =	sadd.s32 @!p1 s1, s3  }
0x32: {  	s16 =	simm.s32 @!p1 $0x18700;
	s3 =	sadd.s32 @!p1 s10, s3;
	s10 =	simm.s32 @!p1 $0x80  }
0x33: {  	[tilespmem:s16], [sflag:$0x6] =	stream.strided.gather @!p1 [hbm4b:s3+s10], $0x1000, s13, s10, $0x38;
	[tilespmem:$0x1E700] =	vst v63  }
0x34: {  	s3 =	simm.s32 @!p1 $0x6  }
0x35: {  	_ =	swait.ge @!p1 [sflag:s3], $0x1000  }
0x36: {  	p0 =	seq.s32 s0, $0x0;
	[sflag:s3] =	ssyncset.done @!p1 $0x0  }
0x37: {  	[sflag:s3] =	ssyncadd.s32 @!p1 $0xFFFFF000;
	s3 =	simm.s32 @!p0 $0x3  }
0x38: {  	_ =	swait.ge @!p0 [sflag:s3], $0x1000  }
0x39: {  	[sflag:s3] =	ssyncset.done @!p0 $0x0  }
0x3a: {  	[sflag:s3] =	ssyncadd.s32 @!p0 $0xFFFFF000  }
0x3b: {  	_ =	swait.ge [sflag:s12], $0xC380  }
0x3c: {  	[sflag:s12] =	ssyncset.done $0x0  }
0x3d: {  	s10 =	simm.s32 $0x0;
	[sflag:s12] =	ssyncadd.s32 $0xFFFF3C80  }
0x3e: {  	v2 =	vld [tilespmem:s10+$0x18700];
	_ =	sdelay $0x4  }
0x3f: {  	vm0 =	vlt.s32 v2, $0xC380  }
0x40: {  	s3 =	simm.s32 $0x10  }
0x41: {  	v1 =	vld [tilespmem:s3+$0x18700];
	_ =	sdelay $0x3  }
0x42: {  	v2 =	vld.idx.msk [tilespmem:v2+s8+$0x0], vm0  }
0x43: {  	vm0 =	vlt.s32 v1, $0xC380;
	_ =	sdelay $0x1  }
0x44: {  	s16 =	simm.s32 $0x20;
	s13 =	simm.s32 $0xC0  }
.LBB2_3:
0x45: {  	p1 =	sne.s32 s13, $0x3FC0;
	v3 =	vld [tilespmem:s16+$0x18700]  }
0x46: {  	[tilespmem:s10+$0x19700] =	vst v2;
	s10 =	smov.u32 s3;
	s3 =	smov.u32 s16;
	_ =	sdelay $0x1  }
.Ltmp0:
0x47: {  	v2 =	vld.idx.msk [tilespmem:v1+s8+$0x0], vm0;
	(pc) =	sbr.rel @p1 .LBB2_3-.Ltmp0, $3  }
0x48: {  	_ = 	snop  }
0x49: {  	vm0 =	vlt.s32 v3, $0xC380;
	v1 =	vmov v3;
	_ =	sdelay $0x1  }
0x4a: {  	s16 =	sshra.s32 s13, $0x2;
	s13 =	sadd.s32 $0x40, s13  }
0x4b: {  	v3 =	vld [tilespmem:s16+$0x18700];
	_ =	sdelay $0x3  }
0x4c: {  	[tilespmem:s10+$0x19700] =	vst v2  }
0x4d: {  	v1 =	vld.idx.msk [tilespmem:v1+s8+$0x0], vm0;
	vm15 =	vlt.s32 v3, $0xC380;
	_ =	sdelay $0x3  }
0x4e: {  	s31 =	sshrl.u32 s9, $0x3  }
0x4f: {  	s13 =	smul.u32 $0x30E000, s5;
	s21 =	sand.u32 $0x3, s31;
	[tilespmem:s3+$0x19700] =	vst v1  }
0x50: {  	s30 =	sshll.u32 s9, $0x7;
	s21 =	smul.u32 $0xC3800, s21;
	v1 =	vld.idx.msk [tilespmem:v3+s8+$0x0], vm15  }
0x51: {  	p1 =	sgt.u32 s0, $0x7;
	s3 =	sand.u32 $0x300, s30  }
.Ltmp1:
0x52: {  	s10 =	sadd.s32 s13, s21;
	s13 =	sor.u32 $0x80, s3;
	(pc) =	sbr.rel @p1 .LBB2_8-.Ltmp1, $4  }
0x53: {  	s21 =	sor.u32 s13, s10  }
0x54: {  	s21 =	sshrl.u32 s21, $0x3  }
0x55: {  	s31 =	sadd.s32 s2, s21;
	[tilespmem:s16+$0x19700] =	vst v1  }
0x56: {  	[tilespmem:s8], [sflag:$0x1] =	stream.strided.gather [hbm4b:s31+s17], $0xC380, s18, s17, $0x38;
	[tilespmem:$0x1E700] =	vst v63  }
0x57: {  	s16 =	sor.u32 s11, s23  }
0x58: {  	s16 =	ssub.s32 s16, s14  }
0x59: {  	v1 =	vmov s16  }
0x5a: {  	v2 =	vand.u32 $0xFFFFFF80, v1  }
0x5b: {  	v1 =	vand.u32 $0x7E, v1;
	v2 =	vadd.s32 v0, v2  }
0x5c: {  	s21 =	simm.s32 @!p0 $0x5;
	v1 =	vor.u32 v1, v2  }
0x5d: {  	_ =	swait.ge @!p0 [sflag:s21], $0x1000  }
0x5e: {  	[sflag:s21] =	ssyncset.done @!p0 $0x0  }
0x5f: {  	[sflag:s21] =	ssyncadd.s32 @!p0 $0xFFFFF000;
	s21 =	simm.s32 $0x0  }
0x60: {  	v3 =	vld [tilespmem:s21+$0x1C700]  }
0x61: {  	v2 =	vld.idx.msk [tilespmem:v1+s20+$0x0], $0xffff;
	_ =	sdelay $0x1  }
0x62: {  	v1 =	vld.idx.msk [tilespmem:v1+s22+$0x0], $0xffff  }
0x63: {  	s30 =	simm.s32 $0x40  }
.LBB2_6:
0x64: {  	p2 =	sne.s32 s30, $0x3FC0  }
.Ltmp2:
0x65: {  	s31 =	sshra.s32 s30, $0x2;
	s30 =	sadd.s32 $0x40, s30;
	v4 =	vmul.f32 v3, v2;
	(pc) =	sbr.rel @p2 .LBB2_6-.Ltmp2, $3  }
0x66: {  	v3 =	vld [tilespmem:s31+$0x1C700]  }
0x67: {  	v4 =	vadd.f32 v4, v1;
	_ =	sdelay $0x1  }
0x68: {  	[tilespmem:s21+$0x1B700] =	vst v4;
	s21 =	smov.u32 s31  }
0x69: {  	s30 =	sshll.u32 s0, $0x8  }
0x6a: {  	s16 =	sshll.u32 s16, $0xC;
	v2 =	vmul.f32 v3, v2;
	s30 =	sand.u32 $0x300, s30  }
0x6b: {  	s16 =	sand.u32 $0xFFFF8000, s16;
	s30 =	sor.u32 s30, s15  }
0x6c: {  	v1 =	vadd.f32 v2, v1;
	s16 =	sadd.s32 s16, s30  }
0x6d: {  	s16 =	sshrl.u32 s16, $0x3  }
0x6e: {  	[tilespmem:s21+$0x1B700] =	vst v1;
	s16 =	sadd.s32 s6, s16  }
0x6f: {  	[hbm4b:s16+s17] =	stream.strided.scatter [tilespmem:s24], [sflag:$0x5], $0x1000, s18, s17, $0x38;
	[tilespmem:$0x1E700] =	vst v63  }
.LBB2_8:
0x70: {  	_ =	swait.ge [sflag:s25], $0xC380  }
0x71: {  	[sflag:s25] =	ssyncset.done $0x0  }
0x72: {  	s30 =	simm.s32 $0x0;
	[sflag:s25] =	ssyncadd.s32 $0xFFFF3C80  }
0x73: {  	v1 =	vld [tilespmem:s30+$0x18700];
	_ =	sdelay $0x3  }
0x74: {  	s16 =	simm.s32 $0x10  }
0x75: {  	v3 =	vld [tilespmem:s16+$0x18700];
	v2 =	vadd.s32 $0x13C80, v1  }
0x76: {  	vm0 =	vgt.s32 v1, $0xC37F;
	v1 =	vand.u32 $0x7F, v1;
	v2 =	vand.u32 $0x1FF80, v2  }
0x77: {  	v1 =	vor.u32 v1, v2;
	_ =	sdelay $0x2  }
0x78: {  	v2 =	vadd.s32 $0x13C80, v3  }
0x79: {  	v4 =	vand.u32 $0x1FF80, v2;
	v2 =	vld [tilespmem:s30+$0x19700]  }
0x7a: {  	v1 =	vld.idx.msk [tilespmem:v1+s19+$0x0], vm0  }
0x7b: {  	v5 =	vand.u32 $0x7F, v3  }
0x7c: {  	s31 =	simm.s32 $0x20;
	s21 =	simm.s32 $0xC0;
	vm1 =	vmmov vm0;
	vm0 =	vgt.s32 v3, $0xC37F;
	v3 =	vor.u32 v5, v4  }
.LBB2_9:
0x7d: {  	p2 =	sne.s32 s21, $0x3FC0;
	v4 =	vld [tilespmem:s31+$0x18700];
	_ =	sdelay $0x1  }
0x7e: {  	v1 =	vsel vm1, v1, v2;
	vm1 =	vmmov vm0  }
.Ltmp3:
0x7f: {  	[tilespmem:s30+$0x19700] =	vst v1;
	s30 =	smov.u32 s16;
	s16 =	smov.u32 s31;
	(pc) =	sbr.rel @p2 .LBB2_9-.Ltmp3, $4  }
0x80: {  	v1 =	vld.idx.msk [tilespmem:v3+s19+$0x0], vm0  }
0x81: {  	v3 =	vadd.s32 $0x13C80, v4;
	v2 =	vld [tilespmem:s30+$0x19700]  }
0x82: {  	vm0 =	vgt.s32 v4, $0xC37F;
	v4 =	vand.u32 $0x7F, v4;
	v3 =	vand.u32 $0x1FF80, v3  }
0x83: {  	s31 =	sshra.s32 s21, $0x2;
	s21 =	sadd.s32 $0x40, s21;
	v3 =	vor.u32 v4, v3  }
0x84: {  	_ = 	snop  }
0x85: {  	v4 =	vld [tilespmem:s31+$0x18700];
	_ =	sdelay $0x1  }
0x86: {  	v1 =	vsel vm1, v1, v2  }
0x87: {  	[tilespmem:s30+$0x19700] =	vst v1  }
0x88: {  	v1 =	vld.idx.msk [tilespmem:v3+s19+$0x0], vm0  }
0x89: {  	v3 =	vld [tilespmem:s16+$0x19700];
	v2 =	vadd.s32 $0x13C80, v4  }
0x8a: {  	vm1 =	vgt.s32 v4, $0xC37F;
	v4 =	vand.u32 $0x7F, v4;
	v2 =	vand.u32 $0x1FF80, v2  }
0x8b: {  	v2 =	vor.u32 v4, v2;
	_ =	sdelay $0x1  }
0x8c: {  	vm0 =	vmmov vm0  }
0x8d: {  	v1 =	vsel vm0, v1, v3  }
0x8e: {  	[tilespmem:s16+$0x19700] =	vst v1  }
0x8f: {  	v1 =	vld.idx.msk [tilespmem:v2+s19+$0x0], vm1  }
0x90: {  	v2 =	vld [tilespmem:s31+$0x19700];
	_ =	sdelay $0x2  }
0x91: {  	s10 =	sadd.s32 s13, s10  }
0x92: {  	s10 =	sadd.s32 $0x61C00, s10;
	vm0 =	vmmov vm1  }
0x93: {  	s10 =	sshrl.u32 s10, $0x3;
	v1 =	vsel vm0, v1, v2  }
0x94: {  	s9 =	sshll.u32 s9, $0xC;
	s10 =	sadd.s32 s2, s10;
	[tilespmem:s31+$0x19700] =	vst v1;
	s31 =	sshll.u32 s5, $0x11  }
0x95: {  	[tilespmem:s19], [sflag:$0x2] =	stream.strided.gather [hbm4b:s10+s17], $0xC380, s18, s17, $0x38;
	[tilespmem:$0x1E700] =	vst v63  }
0x96: {  	s9 =	ssub.s32 s9, s31  }
0x97: {  	s9 =	sand.u32 $0xFFFF8000, s9  }
0x98: {  	s9 =	sadd.s32 s31, s9  }
0x99: {  	s3 =	sor.u32 s3, s9  }
0x9a: {  	s13 =	sor.u32 $0x1, s23;
	s3 =	sshrl.u32 s3, $0x3  }
0x9b: {  	s23 =	sadd.s32 s7, s13;
	s3 =	sadd.s32 s6, s3  }
0x9c: {  	[hbm4b:s3+s17] =	stream.strided.scatter [tilespmem:s26], [sflag:$0x3], $0x1000, s18, s17, $0x38;
	[tilespmem:$0x1E700] =	vst v63  }
0x9d: {  	s3 =	sshrl.u32 s23, $0x5  }
0x9e: {  	p2 =	seq.s32 s3, s5  }
0x9f: {  	s5 =	sshll.u32 @!p2 s3, $0x4  }
0xa0: {  	s9 =	sshll.u32 @!p2 s3, $0x9;
	s5 =	sand.u32 @!p2 $0x70, s5  }
0xa1: {  	s10 =	simm.s32 @!p2 $0x400;
	s9 =	sand.u32 @!p2 $0xFFFF000, s9;
	s5 =	sadd.s32 @!p2 s1, s5  }
0xa2: {  	s16 =	simm.s32 @!p2 $0x18700;
	s5 =	sadd.s32 @!p2 s9, s5;
	s9 =	simm.s32 @!p2 $0x80  }
0xa3: {  	[tilespmem:s16], [sflag:$0x6] =	stream.strided.gather @!p2 [hbm4b:s5+s9], $0x1000, s10, s9, $0x38;
	[tilespmem:$0x1E700] =	vst v63  }
0xa4: {  	s5 =	simm.s32 @!p2 $0x6  }
0xa5: {  	_ =	swait.ge @!p2 [sflag:s5], $0x1000  }
0xa6: {  	[sflag:s5] =	ssyncset.done @!p2 $0x0  }
0xa7: {  	[sflag:s5] =	ssyncadd.s32 @!p2 $0xFFFFF000;
	s5 =	simm.s32 @!p0 $0x4  }
0xa8: {  	_ =	swait.ge @!p0 [sflag:s5], $0x1000  }
0xa9: {  	[sflag:s5] =	ssyncset.done @!p0 $0x0  }
0xaa: {  	[sflag:s5] =	ssyncadd.s32 @!p0 $0xFFFFF000  }
0xab: {  	_ =	swait.ge [sflag:s12], $0xC380  }
0xac: {  	[sflag:s12] =	ssyncset.done $0x0  }
0xad: {  	s5 =	simm.s32 $0x0;
	[sflag:s12] =	ssyncadd.s32 $0xFFFF3C80  }
0xae: {  	v2 =	vld [tilespmem:s5+$0x18700];
	_ =	sdelay $0x4  }
0xaf: {  	vm0 =	vlt.s32 v2, $0xC380  }
0xb0: {  	s9 =	simm.s32 $0x10  }
0xb1: {  	v1 =	vld [tilespmem:s9+$0x18700];
	_ =	sdelay $0x3  }
0xb2: {  	v2 =	vld.idx.msk [tilespmem:v2+s8+$0x0], vm0  }
0xb3: {  	vm0 =	vlt.s32 v1, $0xC380;
	_ =	sdelay $0x1  }
0xb4: {  	s16 =	simm.s32 $0x20;
	s10 =	simm.s32 $0xC0  }
.LBB2_11:
0xb5: {  	p0 =	sne.s32 s10, $0x3FC0;
	v3 =	vld [tilespmem:s16+$0x18700]  }
0xb6: {  	[tilespmem:s5+$0x1A700] =	vst v2;
	s5 =	smov.u32 s9;
	s9 =	smov.u32 s16;
	_ =	sdelay $0x1  }
.Ltmp4:
0xb7: {  	v2 =	vld.idx.msk [tilespmem:v1+s8+$0x0], vm0;
	(pc) =	sbr.rel @p0 .LBB2_11-.Ltmp4, $3  }
0xb8: {  	_ = 	snop  }
0xb9: {  	vm0 =	vlt.s32 v3, $0xC380;
	v1 =	vmov v3;
	_ =	sdelay $0x1  }
0xba: {  	s16 =	sshra.s32 s10, $0x2;
	s10 =	sadd.s32 $0x40, s10  }
0xbb: {  	v3 =	vld [tilespmem:s16+$0x18700];
	_ =	sdelay $0x3  }
0xbc: {  	[tilespmem:s5+$0x1A700] =	vst v2  }
0xbd: {  	v1 =	vld.idx.msk [tilespmem:v1+s8+$0x0], vm0;
	vm15 =	vlt.s32 v3, $0xC380;
	_ =	sdelay $0x1  }
0xbe: {  	p0 =	sgt.u32 s13, $0x18  }
0xbf: {  	s10 =	sadd.s32 @!p0 $0x1, s23  }
0xc0: {  	s5 =	sshrl.u32 @!p0 s10, $0x5;
	s21 =	sshrl.u32 @!p0 s10, $0x3  }
0xc1: {  	s5 =	smul.u32 @!p0 $0x30E000, s5;
	s21 =	sand.u32 @!p0 $0x3, s21;
	[tilespmem:s9+$0x1A700] =	vst v1  }
0xc2: {  	s9 =	smul.u32 @!p0 $0xC3800, s21;
	v1 =	vld.idx.msk [tilespmem:v3+s8+$0x0], vm15  }
0xc3: {  	s10 =	sshll.u32 @!p0 s10, $0x7  }
.Ltmp5:
0xc4: {  	s10 =	sand.u32 @!p0 $0x300, s10;
	s21 =	sadd.s32 @!p0 s5, s9;
	(pc) =	sbr.rel @p1 .LBB2_16-.Ltmp5, $4  }
0xc5: {  	s21 =	sor.u32 @!p0 s10, s21  }
0xc6: {  	s30 =	simm.s32 @!p0 $0x400;
	s21 =	sshrl.u32 @!p0 s21, $0x3  }
0xc7: {  	s31 =	simm.s32 @!p0 $0x0;
	s21 =	sadd.s32 @!p0 s2, s21;
	[tilespmem:s16+$0x1A700] =	vst v1;
	s16 =	simm.s32 @!p0 $0x80  }
0xc8: {  	[tilespmem:s31], [sflag:$0x1] =	stream.strided.gather @!p0 [hbm4b:s21+s16], $0xC380, s30, s16, $0x38;
	[tilespmem:$0x1E700] =	vst v63  }
0xc9: {  	s16 =	sor.u32 s11, s13  }
0xca: {  	s16 =	ssub.s32 s16, s14  }
0xcb: {  	v1 =	vmov s16  }
0xcc: {  	v2 =	vand.u32 $0xFFFFFF80, v1  }
0xcd: {  	v1 =	vand.u32 $0x7F, v1;
	v2 =	vadd.s32 v0, v2  }
0xce: {  	v1 =	vor.u32 v1, v2  }
0xcf: {  	_ =	swait.ge [sflag:s28], $0x1000  }
0xd0: {  	[sflag:s28] =	ssyncset.done $0x0  }
0xd1: {  	s21 =	simm.s32 $0x0;
	[sflag:s28] =	ssyncadd.s32 $0xFFFFF000  }
0xd2: {  	v3 =	vld [tilespmem:s21+$0x1C700]  }
0xd3: {  	v2 =	vld.idx.msk [tilespmem:v1+s20+$0x0], $0xffff;
	_ =	sdelay $0x1  }
0xd4: {  	v1 =	vld.idx.msk [tilespmem:v1+s22+$0x0], $0xffff  }
0xd5: {  	s30 =	simm.s32 $0x40  }
.LBB2_14:
0xd6: {  	p1 =	sne.s32 s30, $0x3FC0  }
.Ltmp6:
0xd7: {  	s31 =	sshra.s32 s30, $0x2;
	s30 =	sadd.s32 $0x40, s30;
	v4 =	vmul.f32 v3, v2;
	(pc) =	sbr.rel @p1 .LBB2_14-.Ltmp6, $3  }
0xd8: {  	v3 =	vld [tilespmem:s31+$0x1C700]  }
0xd9: {  	v4 =	vadd.f32 v4, v1;
	_ =	sdelay $0x1  }
0xda: {  	[tilespmem:s21+$0x1B700] =	vst v4;
	s21 =	smov.u32 s31  }
0xdb: {  	s13 =	sshll.u32 s13, $0x7  }
0xdc: {  	s16 =	sshll.u32 s16, $0xC;
	v2 =	vmul.f32 v3, v2;
	s13 =	sand.u32 $0x380, s13  }
0xdd: {  	s16 =	sand.u32 $0xFFFF8000, s16;
	s13 =	sor.u32 s13, s15  }
0xde: {  	v1 =	vadd.f32 v2, v1;
	s13 =	sadd.s32 s16, s13  }
0xdf: {  	s13 =	sshrl.u32 s13, $0x3  }
0xe0: {  	[tilespmem:s21+$0x1B700] =	vst v1;
	s13 =	sadd.s32 s6, s13  }
0xe1: {  	[hbm4b:s13+s17] =	stream.strided.scatter [tilespmem:s24], [sflag:$0x5], $0x1000, s18, s17, $0x38;
	[tilespmem:$0x1E700] =	vst v63  }
.LBB2_16:
0xe2: {  	_ =	swait.ge [sflag:s25], $0xC380  }
0xe3: {  	[sflag:s25] =	ssyncset.done $0x0  }
0xe4: {  	s30 =	simm.s32 $0x0;
	[sflag:s25] =	ssyncadd.s32 $0xFFFF3C80  }
0xe5: {  	v1 =	vld [tilespmem:s30+$0x18700];
	_ =	sdelay $0x3  }
0xe6: {  	s16 =	simm.s32 $0x10  }
0xe7: {  	v3 =	vld [tilespmem:s16+$0x18700];
	v2 =	vadd.s32 $0x13C80, v1  }
0xe8: {  	vm0 =	vgt.s32 v1, $0xC37F;
	v1 =	vand.u32 $0x7F, v1;
	v2 =	vand.u32 $0x1FF80, v2  }
0xe9: {  	v1 =	vor.u32 v1, v2;
	_ =	sdelay $0x2  }
0xea: {  	v2 =	vadd.s32 $0x13C80, v3  }
0xeb: {  	v4 =	vand.u32 $0x1FF80, v2;
	v2 =	vld [tilespmem:s30+$0x1A700]  }
0xec: {  	v1 =	vld.idx.msk [tilespmem:v1+s19+$0x0], vm0  }
0xed: {  	s13 =	sshll.u32 s23, $0x7;
	v5 =	vand.u32 $0x7F, v3  }
0xee: {  	s31 =	simm.s32 $0x20;
	s21 =	simm.s32 $0xC0;
	s13 =	sand.u32 $0x380, s13;
	vm1 =	vmmov vm0;
	vm0 =	vgt.s32 v3, $0xC37F;
	v3 =	vor.u32 v5, v4  }
.LBB2_17:
0xef: {  	p1 =	sne.s32 s21, $0x3FC0;
	v4 =	vld [tilespmem:s31+$0x18700];
	_ =	sdelay $0x1  }
0xf0: {  	v1 =	vsel vm1, v1, v2;
	vm1 =	vmmov vm0  }
.Ltmp7:
0xf1: {  	[tilespmem:s30+$0x1A700] =	vst v1;
	s30 =	smov.u32 s16;
	s16 =	smov.u32 s31;
	(pc) =	sbr.rel @p1 .LBB2_17-.Ltmp7, $4  }
0xf2: {  	v1 =	vld.idx.msk [tilespmem:v3+s19+$0x0], vm0  }
0xf3: {  	v3 =	vadd.s32 $0x13C80, v4;
	v2 =	vld [tilespmem:s30+$0x1A700]  }
0xf4: {  	vm0 =	vgt.s32 v4, $0xC37F;
	v4 =	vand.u32 $0x7F, v4;
	v3 =	vand.u32 $0x1FF80, v3  }
0xf5: {  	s31 =	sshra.s32 s21, $0x2;
	s21 =	sadd.s32 $0x40, s21;
	v3 =	vor.u32 v4, v3  }
0xf6: {  	_ = 	snop  }
0xf7: {  	v4 =	vld [tilespmem:s31+$0x18700];
	_ =	sdelay $0x1  }
0xf8: {  	v1 =	vsel vm1, v1, v2  }
0xf9: {  	[tilespmem:s30+$0x1A700] =	vst v1  }
0xfa: {  	v1 =	vld.idx.msk [tilespmem:v3+s19+$0x0], vm0  }
0xfb: {  	v3 =	vld [tilespmem:s16+$0x1A700];
	v2 =	vadd.s32 $0x13C80, v4  }
0xfc: {  	vm13 =	vgt.s32 v4, $0xC37F;
	v4 =	vand.u32 $0x7F, v4;
	v2 =	vand.u32 $0x1FF80, v2  }
0xfd: {  	v2 =	vor.u32 v4, v2;
	_ =	sdelay $0x1  }
0xfe: {  	vm14 =	vmmov vm0  }
0xff: {  	v1 =	vsel vm14, v1, v3  }
0x100: {  	[tilespmem:s16+$0x1A700] =	vst v1  }
0x101: {  	v1 =	vld.idx.msk [tilespmem:v2+s19+$0x0], vm13  }
0x102: {  	v2 =	vld [tilespmem:s31+$0x1A700];
	_ =	sdelay $0x1  }
0x103: {  	s5 =	sor.u32 @!p0 s10, s5  }
0x104: {  	s5 =	sadd.s32 @!p0 s9, s5  }
0x105: {  	s10 =	simm.s32 @!p0 $0x400;
	s5 =	sadd.s32 @!p0 $0x61C00, s5;
	vm15 =	vmmov vm13  }
0x106: {  	s9 =	simm.s32 @!p0 $0x80;
	s5 =	sshrl.u32 @!p0 s5, $0x3;
	s30 =	sshll.u32 s3, $0x11;
	v1 =	vsel vm15, v1, v2  }
0x107: {  	s5 =	sadd.s32 @!p0 s2, s5;
	s16 =	simm.s32 @!p0 $0xC380;
	[tilespmem:s31+$0x1A700] =	vst v1;
	s31 =	sshll.u32 s23, $0xC  }
0x108: {  	[tilespmem:s16], [sflag:$0x2] =	stream.strided.gather @!p0 [hbm4b:s5+s9], $0xC380, s10, s9, $0x38;
	[tilespmem:$0x1E700] =	vst v63  }
0x109: {  	s0 =	sadd.s32 $0x1, s0;
	s9 =	ssub.s32 s31, s30  }
0x10a: {  	p0 =	sne.s32 s0, $0xD;
	s9 =	sand.u32 $0xFFFF8000, s9  }
.Ltmp8:
0x10b: {  	s5 =	sadd.s32 s30, s9;
	(pc) =	sbr.rel @p0 .LBB2_2-.Ltmp8, $4  }
0x10c: {  	s5 =	sor.u32 s13, s5  }
0x10d: {  	s5 =	sshrl.u32 s5, $0x3  }
0x10e: {  	s5 =	sadd.s32 s6, s5  }
0x10f: {  	[hbm4b:s5+s17] =	stream.strided.scatter [tilespmem:s29], [sflag:$0x4], $0x1000, s18, s17, $0x38;
	[tilespmem:$0x1E700] =	vst v63  }
0x110: {  	s0 =	simm.s32 $0x3  }
0x111: {  	_ =	swait.ge [sflag:s0], $0x1000  }
0x112: {  	[sflag:s0] =	ssyncset.done $0x0  }
0x113: {  	s30 =	simm.s32 $0x4;
	[sflag:s0] =	ssyncadd.s32 $0xFFFFF000  }
0x114: {  	_ =	swait.ge [sflag:s30], $0x1000  }
0x115: {  	[sflag:s30] =	ssyncset.done $0x0  }
0x116: {  	[sflag:s30] =	ssyncadd.s32 $0xFFFFF000  }
0x117: {  	_ =	swait.ge [sflag:s28], $0x1000  }
0x118: {  	s4 =	sadd.s32 $0x1, s4;
	s31 =	rddreg [dreg:$0xa]  }
0x119: {  	p0 =	sne.s32 s4, s31  }
.Ltmp9:
0x11a: {  	_ = 	snop;
	(pc) =	sbr.rel @p0 .LBB2_1-.Ltmp9, $3  }
0x11b: {  	_ =	sdelay $0x1  }
0x11c: {  	[sflag:s28] =	ssyncset.done $0x0  }
0x11d: {  	[sflag:s28] =	ssyncadd.s32 $0xFFFFF000  }
0x11e: {  	_ =	sfence.sel $0x180000  }
0x11f: {  	[bflag:$0x0] =	sbarrier.arrive $0xFFFF  }
0x120: {  	_ =	strace $0x90000047  }
0x121: {  	s0 =	stileid.u32;
	[bflag:$0x2] =	sbarrier.arrive $0xFFFF  }
0x122: {  	p0 =	sne.s32 s0, $0x0;
	s0 =	rddreg [dreg:$0x6]  }
0x123: {  	s0 =	sadd.s32 @!p0 $0x100000, s0  }
0x124: {  	[sflag:s0] =	ssyncadd.tile.s32 @!p0 $0x1;
	_ =	shalt  }
.Lfunc_end2:
_tile_overlayer_lowered:
.L_overlay_start_2:
0x125: {  	(tag) =	ssettag $0x2  }
0x126: {  	s0 =	rddreg [dreg:$0x0];
	s2 =	stileid.u32  }
0x127: {  	s1 =	rddreg [dreg:$0x1];
	p0 =	sne.s32 s2, $0x0  }
0x128: {  	s3 =	rddreg [dreg:$0x2];
	[bflag:$0x3] =	sbarrier.arrive $0xFFFF;
	s2 =	simm.s32 @!p0 $0x1C06  }
0x129: {  	[timem:s3], [sflag:s2] =	dma.local @!p0 [hbm:s0], s1  }
0x12a: {  	s0 =	simm.s32 @!p0 $0x6  }
0x12b: {  	_ =	swait.ge @!p0 [sflag:s0], s1  }
0x12c: {  	s1 =	ssub.s32 @!p0 $0x0, s1;
	[sflag:s0] =	ssyncset.done @!p0 $0x0  }
0x12d: {  	[sflag:s0] =	ssyncadd.s32 @!p0 s1  }
0x12e: {  	[bflag:$0x3] =	sbarrier.arrive $0xFFFF  }
0x12f: {  	_ =	shalt  }

</sc_bundles>
